<compile_context>
chip_gen: v7x
topology: tpu7x:2x2x1
jax: 0.10.2.dev20260603
libtpu: 0.0.44.dev20260713+nightly
codegen_flags: <defaults>
</compile_context>

<pallas_src>
import functools

import jax
import jax.numpy as jnp
from jax import lax
from jax.experimental import pallas as pl
from jax.experimental.pallas import tpu as pltpu
from jax.experimental.pallas import tpu_sc as plsc

N = 10000
E = 160000
IN_DIM = 256
HID_DIM = 512
OUT_DIM = 256

NC = 2
NS = 16
LANES = 16
HALF = 128
G = 128
NB = 80
CH = 16
NCHUNK = NB // CH
E_PAD = NS * NB * G
N_ACC = 10112
ROWS_PER_SUB = N_ACC // NS
RB = 400
GRID = N // RB

_mesh = plsc.VectorSubcoreMesh(core_axis_name="c", subcore_axis_name="s")


def _const_fill(buf, rows, cols, value):
    vec = jnp.full((LANES,), value, jnp.float32)

    @pl.loop(0, rows)
    def _(r):
        @pl.loop(0, cols // LANES)
        def _(c):
            buf[r, pl.ds(c * LANES, LANES)] = vec


def _zero_fill(buf, rows, cols):
    _const_fill(buf, rows, cols, 0.0)


NBD = E_PAD // (NC * NS * G)


@functools.partial(
    pl.kernel,
    mesh=_mesh,
    out_type=jax.ShapeDtypeStruct((NC * N_ACC, HALF), jnp.float32),
    scratch_types=[
        pltpu.VMEM((NBD, G), jnp.int32),
        pltpu.VMEM((G, HALF), jnp.float32),
        pltpu.VMEM_SHARED((N_ACC, HALF), jnp.float32),
    ],
)
def _sc_degree(dst_hbm, out_hbm, idx_v, ones_v, acc_sh):
    cid = lax.axis_index("c")
    sid = lax.axis_index("s")

    pltpu.sync_copy(dst_hbm.at[cid * NS + sid], idx_v)

    _zero_fill(ones_v, G, HALF)
    r0 = sid * ROWS_PER_SUB

    @pl.loop(0, 4)
    def _(i):
        pltpu.sync_copy(ones_v, acc_sh.at[pl.ds(r0 + i * G, G)])

    pltpu.sync_copy(ones_v.at[pl.ds(0, ROWS_PER_SUB - 4 * G)],
                    acc_sh.at[pl.ds(r0 + 4 * G, ROWS_PER_SUB - 4 * G)])

    _const_fill(ones_v, G, HALF, 1.0)

    plsc.subcore_barrier()

    @pl.loop(0, NBD)
    def _(j):
        pltpu.sync_copy(ones_v, acc_sh.at[idx_v.at[j]], add=True)

    plsc.subcore_barrier()

    pltpu.sync_copy(acc_sh.at[pl.ds(r0, ROWS_PER_SUB)],
                    out_hbm.at[pl.ds(cid * N_ACC + r0, ROWS_PER_SUB)])


@functools.partial(
    pl.kernel,
    mesh=_mesh,
    out_type=jax.ShapeDtypeStruct((NC * N_ACC, HALF), jnp.float32),
    scratch_types=[
        pltpu.VMEM((CH, G), jnp.int32),
        pltpu.VMEM((CH, G), jnp.int32),
        pltpu.VMEM((G, HALF), jnp.float32),
        pltpu.VMEM((G, HALF), jnp.float32),
        pltpu.VMEM_SHARED((N_ACC, HALF), jnp.float32),
        pltpu.SemaphoreType.DMA,
        pltpu.SemaphoreType.DMA,
    ],
)
def _sc_aggregate(src_hbm, dst_hbm, table_hbm, out_hbm,
                  src_v, dst_v, buf0, buf1, acc_sh, gsem0, gsem1):
    cid = lax.axis_index("c")
    sid = lax.axis_index("s")

    _zero_fill(buf0, G, HALF)
    r0 = sid * ROWS_PER_SUB

    @pl.loop(0, 4)
    def _(i):
        pltpu.sync_copy(buf0, acc_sh.at[pl.ds(r0 + i * G, G)])

    pltpu.sync_copy(buf0.at[pl.ds(0, ROWS_PER_SUB - 4 * G)],
                    acc_sh.at[pl.ds(r0 + 4 * G, ROWS_PER_SUB - 4 * G)])

    off = cid * N
    plsc.subcore_barrier()

    @pl.loop(0, NCHUNK)
    def _(q):
        pltpu.sync_copy(src_hbm.at[sid, pl.ds(q * CH, CH)], src_v)
        pltpu.sync_copy(dst_hbm.at[sid, pl.ds(q * CH, CH)], dst_v)

        @pl.loop(0, CH)
        def _(j):
            @pl.loop(0, G // LANES)
            def _(c):
                src_v[j, pl.ds(c * LANES, LANES)] = (
                    src_v[j, pl.ds(c * LANES, LANES)] + off)

        pltpu.async_copy(table_hbm.at[src_v.at[0]], buf0, gsem0).wait()

        @pl.loop(0, CH // 2 - 1)
        def _(i):
            j = i * 2
            cp1 = pltpu.async_copy(table_hbm.at[src_v.at[j + 1]], buf1, gsem1)
            pltpu.sync_copy(buf0, acc_sh.at[dst_v.at[j]], add=True)
            cp1.wait()
            cp0 = pltpu.async_copy(table_hbm.at[src_v.at[j + 2]], buf0, gsem0)
            pltpu.sync_copy(buf1, acc_sh.at[dst_v.at[j + 1]], add=True)
            cp0.wait()

        cp1 = pltpu.async_copy(table_hbm.at[src_v.at[CH - 1]], buf1, gsem1)
        pltpu.sync_copy(buf0, acc_sh.at[dst_v.at[CH - 2]], add=True)
        cp1.wait()
        pltpu.sync_copy(buf1, acc_sh.at[dst_v.at[CH - 1]], add=True)

    plsc.subcore_barrier()

    pltpu.sync_copy(acc_sh.at[pl.ds(r0, ROWS_PER_SUB)],
                    out_hbm.at[pl.ds(cid * N_ACC + r0, ROWS_PER_SUB)])


def _dinv_of(deg_ref):
    return lax.rsqrt(deg_ref[0][:, :1] + deg_ref[1][:, :1] + 1.0)


def _scale_split(deg_ref, x_ref, o_ref):
    xp = x_ref[...] * _dinv_of(deg_ref)
    o_ref[0] = xp[:, :HALF]
    o_ref[1] = xp[:, HALF:]


def _mm_chain(agg_ref, xp_ref, deg_ref, w1_ref, b1_ref, w2_ref,
              h_ref, zp_ref):
    dinv = _dinv_of(deg_ref)
    y = jnp.concatenate([(agg_ref[0] + xp_ref[0]) * dinv,
                         (agg_ref[1] + xp_ref[1]) * dinv], axis=1)
    x1 = jnp.dot(y, w1_ref[...], preferred_element_type=jnp.float32)
    h = jnp.maximum(x1 + b1_ref[...], 0.0)
    h_ref[...] = h
    z = jnp.dot(h, w2_ref[...], preferred_element_type=jnp.float32)
    zp = z * dinv
    zp_ref[0] = zp[:, :HALF]
    zp_ref[1] = zp[:, HALF:]


def _merge_bias(agg_ref, zp_ref, deg_ref, b2_ref, o_ref):
    dinv = _dinv_of(deg_ref)
    o_ref[...] = jnp.concatenate([(agg_ref[0] + zp_ref[0]) * dinv,
                                  (agg_ref[1] + zp_ref[1]) * dinv],
                                 axis=1) + b2_ref[...]


def kernel(x, edge_index, W1, b1, W2, b2):
    src = edge_index[0]
    dst = edge_index[1]
    pad = E_PAD - E
    srcp = jnp.concatenate([src, jnp.zeros((pad,), jnp.int32)]).reshape(NS, NB, G)
    dstp = jnp.concatenate([dst, jnp.full((pad,), N, jnp.int32)]).reshape(NS, NB, G)

    deg2 = _sc_degree(dstp.reshape(NC * NS, NBD, G)).reshape(NC, N_ACC, HALF)

    xp_st = pl.pallas_call(
        _scale_split,
        grid=(GRID,),
        in_specs=[pl.BlockSpec((2, RB, HALF), lambda i: (0, i, 0)),
                  pl.BlockSpec((RB, IN_DIM), lambda i: (i, 0))],
        out_specs=pl.BlockSpec((2, RB, HALF), lambda i: (0, i, 0)),
        out_shape=jax.ShapeDtypeStruct((2, N, HALF), jnp.float32),
    )(deg2, x)

    agg1 = _sc_aggregate(srcp, dstp, xp_st.reshape(2 * N, HALF))
    agg1 = agg1.reshape(2, N_ACC, HALF)

    h, zp_st = pl.pallas_call(
        _mm_chain,
        grid=(GRID,),
        in_specs=[pl.BlockSpec((2, RB, HALF), lambda i: (0, i, 0)),
                  pl.BlockSpec((2, RB, HALF), lambda i: (0, i, 0)),
                  pl.BlockSpec((2, RB, HALF), lambda i: (0, i, 0)),
                  pl.BlockSpec((IN_DIM, HID_DIM), lambda i: (0, 0)),
                  pl.BlockSpec((1, HID_DIM), lambda i: (0, 0)),
                  pl.BlockSpec((HID_DIM, OUT_DIM), lambda i: (0, 0))],
        out_specs=[pl.BlockSpec((RB, HID_DIM), lambda i: (i, 0)),
                   pl.BlockSpec((2, RB, HALF), lambda i: (0, i, 0))],
        out_shape=[jax.ShapeDtypeStruct((N, HID_DIM), jnp.float32),
                   jax.ShapeDtypeStruct((2, N, HALF), jnp.float32)],
    )(agg1, xp_st, deg2, W1, b1.reshape(1, HID_DIM), W2)

    agg2 = _sc_aggregate(srcp, dstp, zp_st.reshape(2 * N, HALF))
    agg2 = agg2.reshape(2, N_ACC, HALF)

    x2 = pl.pallas_call(
        _merge_bias,
        grid=(GRID,),
        in_specs=[pl.BlockSpec((2, RB, HALF), lambda i: (0, i, 0)),
                  pl.BlockSpec((2, RB, HALF), lambda i: (0, i, 0)),
                  pl.BlockSpec((2, RB, HALF), lambda i: (0, i, 0)),
                  pl.BlockSpec((1, OUT_DIM), lambda i: (0, 0))],
        out_specs=pl.BlockSpec((RB, OUT_DIM), lambda i: (i, 0)),
        out_shape=jax.ShapeDtypeStruct((N, OUT_DIM), jnp.float32),
    )(agg2, zp_st, deg2, b2.reshape(1, OUT_DIM))

    return (x2, h)

# --- scband reference (transcript-rebuilt; emitter-appended) ---
"""Pipeline reference for scband-gcn-72043781423167 (READ-ONLY COPY).

The authoritative reference and input builder live on the scoring server;
editing this copy changes nothing except your own understanding.
"""

import jax, jax.numpy as jnp
import numpy as np

N = 10000
E = 160000
IN_DIM = 256
HID_DIM = 512
OUT_DIM = 256


def setup_inputs(seed: int = 0) -> dict:
    key = jax.random.key(seed)
    ks = jax.random.split(key, 6)
    x = jax.random.normal(ks[0], (N, IN_DIM), dtype=jnp.float32)
    edge_index = jax.random.randint(ks[1], (2, E), 0, N, dtype=jnp.int32)
    W1 = jax.random.normal(ks[2], (IN_DIM, HID_DIM), dtype=jnp.float32) * (1.0 / np.sqrt(IN_DIM))
    b1 = jnp.zeros((HID_DIM,), dtype=jnp.float32)
    W2 = jax.random.normal(ks[3], (HID_DIM, OUT_DIM), dtype=jnp.float32) * (1.0 / np.sqrt(HID_DIM))
    b2 = jnp.zeros((OUT_DIM,), dtype=jnp.float32)
    return {"x": x, "edge_index": edge_index, "W1": W1, "b1": b1, "W2": W2, "b2": b2}


def _gcn_conv(x, edge_index, W, b):
    # Faithful PyG GCNConv: add self-loops, symmetric normalization, linear, scatter-add, bias.
    n = x.shape[0]
    loops = jnp.arange(n, dtype=edge_index.dtype)
    src = jnp.concatenate([edge_index[0], loops])
    dst = jnp.concatenate([edge_index[1], loops])
    deg = jnp.zeros((n,), dtype=x.dtype).at[dst].add(1.0)
    deg_inv_sqrt = jax.lax.rsqrt(jnp.maximum(deg, 1e-12))
    deg_inv_sqrt = jnp.where(deg > 0, deg_inv_sqrt, 0.0)
    norm = deg_inv_sqrt[src] * deg_inv_sqrt[dst]
    h = x @ W
    msg = h[src] * norm[:, None]
    out = jnp.zeros((n, h.shape[1]), dtype=x.dtype).at[dst].add(msg)
    return out + b


def reference(x, edge_index, W1, b1, W2, b2):
    x1 = _gcn_conv(x, edge_index, W1, b1)
    h = jax.nn.relu(x1)  # F.dropout with training=False is identity (eval mode)
    x2 = _gcn_conv(h, edge_index, W2, b2)
    return (x2, h)

if __name__ == "__main__":
    import jax
    _d = setup_inputs()
    print(jax.jit(kernel)(*tuple(_d.values())))

</pallas_src>

<mosaic_0001>
#map = affine_map<(d0, d1) -> (0, 0, 0)>
#map1 = affine_map<(d0, d1) -> (0, 0)>
module attributes {stable_mosaic.version = 14 : i64} {
  func.func @_sc_degree(%arg0: i32, %arg1: i32, %arg2: memref<32x40x128xi32, #tpu.memory_space<hbm>>, %arg3: memref<20224x128xf32, #tpu.memory_space<hbm>>, %arg4: memref<40x128xi32, #tpu.memory_space<vmem>>, %arg5: memref<128x128xf32, #tpu.memory_space<vmem>>, %arg6: memref<10112x128xf32, #tpu.memory_space<vmem_shared>>) attributes {dimension_semantics = [#tpu.dimension_semantics<core_parallel>, #tpu.dimension_semantics<subcore_parallel>], iteration_bounds = array<i64: 2, 16>, scalar_prefetch = 0 : i64, scratch_operands = 3 : i64, tpu.core_type = #tpu.core_type<sc_vector_subcore>, window_params = [{transform_indices = #map}, {transform_indices = #map1}]} {
    %mul3A = arith.constant 16 : i32
    %mul3A_0 = arith.muli %arg0, %mul3A : i32
    %add3A = arith.addi %mul3A_0, %arg1 : i32
    "tpu.region"() ({
      %run_scoped3A = tpu.sem_alloc : memref<!tpu.dma_semaphore, #tpu.memory_space<semaphore_mem>>
      %dma_start3A = arith.constant 0 : i32
      %dma_start3A_31 = arith.constant 0 : i32
      %dma_start3A_32 = tpu.memref_slice %arg2[%add3A, %dma_start3A, %dma_start3A_31] : memref<32x40x128xi32, #tpu.memory_space<hbm>> -> memref<1x40x128xi32, #tpu.memory_space<hbm>>
      %dma_start3A_33 = tpu.memref_squeeze %dma_start3A_32 : memref<1x40x128xi32, #tpu.memory_space<hbm>> -> memref<40x128xi32, #tpu.memory_space<hbm>>
      %dma_start3A_34 = arith.constant 0 : i32
      %dma_start3A_35 = arith.constant 0 : i32
      %dma_start3A_36 = tpu.memref_slice %arg2[%add3A, %dma_start3A_34, %dma_start3A_35] : memref<32x40x128xi32, #tpu.memory_space<hbm>> -> memref<1x40x128xi32, #tpu.memory_space<hbm>>
      %dma_start3A_37 = tpu.memref_squeeze %dma_start3A_36 : memref<1x40x128xi32, #tpu.memory_space<hbm>> -> memref<40x128xi32, #tpu.memory_space<hbm>>
      tpu.enqueue_dma source(%dma_start3A_37 : memref<40x128xi32, #tpu.memory_space<hbm>>) target(%arg4 : memref<40x128xi32, #tpu.memory_space<vmem>>) target_semaphore(%run_scoped3A : memref<!tpu.dma_semaphore, #tpu.memory_space<semaphore_mem>>)
      %dma_wait3A = arith.constant 0 : i32
      %dma_wait3A_38 = arith.constant 0 : i32
      %dma_wait3A_39 = tpu.memref_slice %arg2[%add3A, %dma_wait3A, %dma_wait3A_38] : memref<32x40x128xi32, #tpu.memory_space<hbm>> -> memref<1x40x128xi32, #tpu.memory_space<hbm>>
      %dma_wait3A_40 = tpu.memref_squeeze %dma_wait3A_39 : memref<1x40x128xi32, #tpu.memory_space<hbm>> -> memref<40x128xi32, #tpu.memory_space<hbm>>
      %dma_wait3A_41 = arith.constant 0 : i32
      %dma_wait3A_42 = arith.constant 0 : i32
      %dma_wait3A_43 = tpu.memref_slice %arg2[%add3A, %dma_wait3A_41, %dma_wait3A_42] : memref<32x40x128xi32, #tpu.memory_space<hbm>> -> memref<1x40x128xi32, #tpu.memory_space<hbm>>
      %dma_wait3A_44 = tpu.memref_squeeze %dma_wait3A_43 : memref<1x40x128xi32, #tpu.memory_space<hbm>> -> memref<40x128xi32, #tpu.memory_space<hbm>>
      tpu.wait_dma2 semaphore(%run_scoped3A : memref<!tpu.dma_semaphore, #tpu.memory_space<semaphore_mem>>) src(%dma_wait3A_44 : memref<40x128xi32, #tpu.memory_space<hbm>>) dst(%arg4 : memref<40x128xi32, #tpu.memory_space<vmem>>)
      tpu.yield
    }) : () -> ()
    %broadcast_in_dim3A = arith.constant 0.000000e+00 : f32
    %broadcast_in_dim3A_1 = vector.broadcast %broadcast_in_dim3A : f32 to vector<16xf32>
    %scan3A = arith.constant 0 : i32
    %scan3A_2 = arith.constant 128 : i32
    %scan3A_3 = arith.addi %scan3A, %scan3A_2 : i32
    %scan3A_4 = arith.constant 1 : i32
    scf.for %scan3A_31 = %scan3A to %scan3A_3 step %scan3A_4  : i32 {
      %mul3A_32 = arith.constant 1 : i32
      %mul3A_33 = arith.muli %scan3A_31, %mul3A_32 : i32
      %add3A_34 = arith.constant 0 : i32
      %add3A_35 = arith.addi %add3A_34, %mul3A_33 : i32
      %scan3A_36 = arith.constant 0 : i32
      %scan3A_37 = arith.constant 8 : i32
      %scan3A_38 = arith.addi %scan3A_36, %scan3A_37 : i32
      %scan3A_39 = arith.constant 1 : i32
      scf.for %scan3A_41 = %scan3A_36 to %scan3A_38 step %scan3A_39  : i32 {
        %mul3A_42 = arith.constant 1 : i32
        %mul3A_43 = arith.muli %scan3A_41, %mul3A_42 : i32
        %add3A_44 = arith.constant 0 : i32
        %add3A_45 = arith.addi %add3A_44, %mul3A_43 : i32
        %mul3A_46 = arith.constant 16 : i32
        %mul3A_47 = arith.muli %add3A_45, %mul3A_46 : i32
        %swap3A = arith.index_cast %add3A_35 : i32 to index
        %swap3A_48 = arith.index_cast %mul3A_47 : i32 to index
        %swap3A_49 = tpu.vector_load %arg5[%swap3A, %swap3A_48] {strides = array<i32>} : memref<128x128xf32, #tpu.memory_space<vmem>>, vector<1x16xf32>,
        %swap3A_50 = vector.shape_cast %swap3A_49 : vector<1x16xf32> to vector<16xf32>
        %swap3A_51 = vector.shape_cast %broadcast_in_dim3A_1 : vector<16xf32> to vector<1x16xf32>
        tpu.vector_store %arg5[%swap3A, %swap3A_48], %swap3A_51 {strides = array<i32>} : memref<128x128xf32, #tpu.memory_space<vmem>>, vector<1x16xf32>,
      }
      %scan3A_40 = arith.constant 8 : i32
    }
    %scan3A_5 = arith.constant 128 : i32
    %mul3A_6 = arith.constant 632 : i32
    %mul3A_7 = arith.muli %arg1, %mul3A_6 : i32
    %scan3A_8 = arith.constant 0 : i32
    %scan3A_9 = arith.constant 4 : i32
    %scan3A_10 = arith.addi %scan3A_8, %scan3A_9 : i32
    %scan3A_11 = arith.constant 1 : i32
    scf.for %scan3A_31 = %scan3A_8 to %scan3A_10 step %scan3A_11  : i32 {
      %mul3A_32 = arith.constant 1 : i32
      %mul3A_33 = arith.muli %scan3A_31, %mul3A_32 : i32
      %add3A_34 = arith.constant 0 : i32
      %add3A_35 = arith.addi %add3A_34, %mul3A_33 : i32
      %mul3A_36 = arith.constant 128 : i32
      %mul3A_37 = arith.muli %add3A_35, %mul3A_36 : i32
      %add3A_38 = arith.addi %mul3A_7, %mul3A_37 : i32
      "tpu.region"() ({
        %run_scoped3A = tpu.sem_alloc : memref<!tpu.dma_semaphore, #tpu.memory_space<semaphore_mem>>
        %dma_start3A = arith.constant 0 : i32
        %dma_start3A_39 = tpu.memref_slice %arg6[%add3A_38, %dma_start3A] : memref<10112x128xf32, #tpu.memory_space<vmem_shared>> -> memref<128x128xf32, #tpu.memory_space<vmem_shared>>
        %dma_start3A_40 = arith.constant 0 : i32
        %dma_start3A_41 = tpu.memref_slice %arg6[%add3A_38, %dma_start3A_40] : memref<10112x128xf32, #tpu.memory_space<vmem_shared>> -> memref<128x128xf32, #tpu.memory_space<vmem_shared>>
        tpu.enqueue_dma source(%arg5 : memref<128x128xf32, #tpu.memory_space<vmem>>) target(%dma_start3A_41 : memref<128x128xf32, #tpu.memory_space<vmem_shared>>) target_semaphore(%run_scoped3A : memref<!tpu.dma_semaphore, #tpu.memory_space<semaphore_mem>>)
        %dma_wait3A = arith.constant 0 : i32
        %dma_wait3A_42 = tpu.memref_slice %arg6[%add3A_38, %dma_wait3A] : memref<10112x128xf32, #tpu.memory_space<vmem_shared>> -> memref<128x128xf32, #tpu.memory_space<vmem_shared>>
        %dma_wait3A_43 = arith.constant 0 : i32
        %dma_wait3A_44 = tpu.memref_slice %arg6[%add3A_38, %dma_wait3A_43] : memref<10112x128xf32, #tpu.memory_space<vmem_shared>> -> memref<128x128xf32, #tpu.memory_space<vmem_shared>>
        tpu.wait_dma2 semaphore(%run_scoped3A : memref<!tpu.dma_semaphore, #tpu.memory_space<semaphore_mem>>) src(%arg5 : memref<128x128xf32, #tpu.memory_space<vmem>>) dst(%dma_wait3A_44 : memref<128x128xf32, #tpu.memory_space<vmem_shared>>)
        tpu.yield
      }) : () -> ()
    }
    %scan3A_12 = arith.constant 4 : i32
    %add3A_13 = arith.constant 512 : i32
    %add3A_14 = arith.addi %mul3A_7, %add3A_13 : i32
    "tpu.region"() ({
      %run_scoped3A = tpu.sem_alloc : memref<!tpu.dma_semaphore, #tpu.memory_space<semaphore_mem>>
      %dma_start3A = arith.constant 0 : i32
      %dma_start3A_31 = arith.constant 0 : i32
      %dma_start3A_32 = tpu.memref_slice %arg5[%dma_start3A, %dma_start3A_31] : memref<128x128xf32, #tpu.memory_space<vmem>> -> memref<120x128xf32, #tpu.memory_space<vmem>>
      %dma_start3A_33 = arith.constant 0 : i32
      %dma_start3A_34 = tpu.memref_slice %arg6[%add3A_14, %dma_start3A_33] : memref<10112x128xf32, #tpu.memory_space<vmem_shared>> -> memref<120x128xf32, #tpu.memory_space<vmem_shared>>
      %dma_start3A_35 = arith.constant 0 : i32
      %dma_start3A_36 = tpu.memref_slice %arg6[%add3A_14, %dma_start3A_35] : memref<10112x128xf32, #tpu.memory_space<vmem_shared>> -> memref<120x128xf32, #tpu.memory_space<vmem_shared>>
      %dma_start3A_37 = arith.constant 0 : i32
      %dma_start3A_38 = arith.constant 0 : i32
      %dma_start3A_39 = tpu.memref_slice %arg5[%dma_start3A_37, %dma_start3A_38] : memref<128x128xf32, #tpu.memory_space<vmem>> -> memref<120x128xf32, #tpu.memory_space<vmem>>
      tpu.enqueue_dma source(%dma_start3A_39 : memref<120x128xf32, #tpu.memory_space<vmem>>) target(%dma_start3A_36 : memref<120x128xf32, #tpu.memory_space<vmem_shared>>) target_semaphore(%run_scoped3A : memref<!tpu.dma_semaphore, #tpu.memory_space<semaphore_mem>>)
      %dma_wait3A = arith.constant 0 : i32
      %dma_wait3A_40 = arith.constant 0 : i32
      %dma_wait3A_41 = tpu.memref_slice %arg5[%dma_wait3A, %dma_wait3A_40] : memref<128x128xf32, #tpu.memory_space<vmem>> -> memref<120x128xf32, #tpu.memory_space<vmem>>
      %dma_wait3A_42 = arith.constant 0 : i32
      %dma_wait3A_43 = tpu.memref_slice %arg6[%add3A_14, %dma_wait3A_42] : memref<10112x128xf32, #tpu.memory_space<vmem_shared>> -> memref<120x128xf32, #tpu.memory_space<vmem_shared>>
      %dma_wait3A_44 = arith.constant 0 : i32
      %dma_wait3A_45 = tpu.memref_slice %arg6[%add3A_14, %dma_wait3A_44] : memref<10112x128xf32, #tpu.memory_space<vmem_shared>> -> memref<120x128xf32, #tpu.memory_space<vmem_shared>>
      %dma_wait3A_46 = arith.constant 0 : i32
      %dma_wait3A_47 = arith.constant 0 : i32
      %dma_wait3A_48 = tpu.memref_slice %arg5[%dma_wait3A_46, %dma_wait3A_47] : memref<128x128xf32, #tpu.memory_space<vmem>> -> memref<120x128xf32, #tpu.memory_space<vmem>>
      tpu.wait_dma2 semaphore(%run_scoped3A : memref<!tpu.dma_semaphore, #tpu.memory_space<semaphore_mem>>) src(%dma_wait3A_48 : memref<120x128xf32, #tpu.memory_space<vmem>>) dst(%dma_wait3A_45 : memref<120x128xf32, #tpu.memory_space<vmem_shared>>)
      tpu.yield
    }) : () -> ()
    %broadcast_in_dim3A_15 = arith.constant 1.000000e+00 : f32
    %broadcast_in_dim3A_16 = vector.broadcast %broadcast_in_dim3A_15 : f32 to vector<16xf32>
    %scan3A_17 = arith.constant 0 : i32
    %scan3A_18 = arith.constant 128 : i32
    %scan3A_19 = arith.addi %scan3A_17, %scan3A_18 : i32
    %scan3A_20 = arith.constant 1 : i32
    scf.for %scan3A_31 = %scan3A_17 to %scan3A_19 step %scan3A_20  : i32 {
      %mul3A_32 = arith.constant 1 : i32
      %mul3A_33 = arith.muli %scan3A_31, %mul3A_32 : i32
      %add3A_34 = arith.constant 0 : i32
      %add3A_35 = arith.addi %add3A_34, %mul3A_33 : i32
      %scan3A_36 = arith.constant 0 : i32
      %scan3A_37 = arith.constant 8 : i32
      %scan3A_38 = arith.addi %scan3A_36, %scan3A_37 : i32
      %scan3A_39 = arith.constant 1 : i32
      scf.for %scan3A_41 = %scan3A_36 to %scan3A_38 step %scan3A_39  : i32 {
        %mul3A_42 = arith.constant 1 : i32
        %mul3A_43 = arith.muli %scan3A_41, %mul3A_42 : i32
        %add3A_44 = arith.constant 0 : i32
        %add3A_45 = arith.addi %add3A_44, %mul3A_43 : i32
        %mul3A_46 = arith.constant 16 : i32
        %mul3A_47 = arith.muli %add3A_45, %mul3A_46 : i32
        %swap3A = arith.index_cast %add3A_35 : i32 to index
        %swap3A_48 = arith.index_cast %mul3A_47 : i32 to index
        %swap3A_49 = tpu.vector_load %arg5[%swap3A, %swap3A_48] {strides = array<i32>} : memref<128x128xf32, #tpu.memory_space<vmem>>, vector<1x16xf32>,
        %swap3A_50 = vector.shape_cast %swap3A_49 : vector<1x16xf32> to vector<16xf32>
        %swap3A_51 = vector.shape_cast %broadcast_in_dim3A_16 : vector<16xf32> to vector<1x16xf32>
        tpu.vector_store %arg5[%swap3A, %swap3A_48], %swap3A_51 {strides = array<i32>} : memref<128x128xf32, #tpu.memory_space<vmem>>, vector<1x16xf32>,
      }
      %scan3A_40 = arith.constant 8 : i32
    }
    %scan3A_21 = arith.constant 128 : i32
    %barrier3A = arith.constant 0 : index
    tpu.barrier barrier_id(%barrier3A)
    %scan3A_22 = arith.constant 0 : i32
    %scan3A_23 = arith.constant 40 : i32
    %scan3A_24 = arith.addi %scan3A_22, %scan3A_23 : i32
    %scan3A_25 = arith.constant 1 : i32
    scf.for %scan3A_31 = %scan3A_22 to %scan3A_24 step %scan3A_25  : i32 {
      %mul3A_32 = arith.constant 1 : i32
      %mul3A_33 = arith.muli %scan3A_31, %mul3A_32 : i32
      %add3A_34 = arith.constant 0 : i32
      %add3A_35 = arith.addi %add3A_34, %mul3A_33 : i32
      "tpu.region"() ({
        %run_scoped3A = tpu.sem_alloc : memref<!tpu.dma_semaphore, #tpu.memory_space<semaphore_mem>>
        %dma_start3A = arith.constant 0 : i32
        %dma_start3A_36 = tpu.memref_slice %arg4[%add3A_35, %dma_start3A] : memref<40x128xi32, #tpu.memory_space<vmem>> -> memref<1x128xi32, #tpu.memory_space<vmem>>
        %dma_start3A_37 = tpu.memref_squeeze %dma_start3A_36 : memref<1x128xi32, #tpu.memory_space<vmem>> -> memref<128xi32, #tpu.memory_space<vmem>>
        %dma_start3A_38 = arith.constant 0 : i32
        %dma_start3A_39 = arith.constant 0 : i32
        %dma_start3A_40 = tpu.memref_slice %arg6[%dma_start3A_38, %dma_start3A_39] : memref<10112x128xf32, #tpu.memory_space<vmem_shared>> -> memref<10112x128xf32, #tpu.memory_space<vmem_shared>>
        tpu.enqueue_indirect_dma source(%arg5 : memref<128x128xf32, #tpu.memory_space<vmem>>) target(%dma_start3A_40 : memref<10112x128xf32, #tpu.memory_space<vmem_shared>>) offsets(%dma_start3A_37 : memref<128xi32, #tpu.memory_space<vmem>>) semaphore(%run_scoped3A : memref<!tpu.dma_semaphore, #tpu.memory_space<semaphore_mem>>) {add = true}
        %dma_wait3A = arith.constant 0 : i32
        %dma_wait3A_41 = tpu.memref_slice %arg4[%add3A_35, %dma_wait3A] : memref<40x128xi32, #tpu.memory_space<vmem>> -> memref<1x128xi32, #tpu.memory_space<vmem>>
        %dma_wait3A_42 = tpu.memref_squeeze %dma_wait3A_41 : memref<1x128xi32, #tpu.memory_space<vmem>> -> memref<128xi32, #tpu.memory_space<vmem>>
        %dma_wait3A_43 = arith.constant 0 : i32
        %dma_wait3A_44 = arith.constant 0 : i32
        %dma_wait3A_45 = tpu.memref_slice %arg6[%dma_wait3A_43, %dma_wait3A_44] : memref<10112x128xf32, #tpu.memory_space<vmem_shared>> -> memref<10112x128xf32, #tpu.memory_space<vmem_shared>>
        tpu.wait_indirect_dma semaphore(%run_scoped3A : memref<!tpu.dma_semaphore, #tpu.memory_space<semaphore_mem>>) src(%arg5 : memref<128x128xf32, #tpu.memory_space<vmem>>) dst(%dma_wait3A_45 : memref<10112x128xf32, #tpu.memory_space<vmem_shared>>)
        tpu.yield
      }) : () -> ()
    }
    %scan3A_26 = arith.constant 40 : i32
    %barrier3A_27 = arith.constant 0 : index
    tpu.barrier barrier_id(%barrier3A_27)
    %mul3A_28 = arith.constant 10112 : i32
    %mul3A_29 = arith.muli %arg0, %mul3A_28 : i32
    %add3A_30 = arith.addi %mul3A_29, %mul3A_7 : i32
    "tpu.region"() ({
      %run_scoped3A = tpu.sem_alloc : memref<!tpu.dma_semaphore, #tpu.memory_space<semaphore_mem>>
      %dma_start3A = arith.constant 0 : i32
      %dma_start3A_31 = tpu.memref_slice %arg3[%add3A_30, %dma_start3A] : memref<20224x128xf32, #tpu.memory_space<hbm>> -> memref<632x128xf32, #tpu.memory_space<hbm>>
      %dma_start3A_32 = arith.constant 0 : i32
      %dma_start3A_33 = tpu.memref_slice %arg6[%mul3A_7, %dma_start3A_32] : memref<10112x128xf32, #tpu.memory_space<vmem_shared>> -> memref<632x128xf32, #tpu.memory_space<vmem_shared>>
      tpu.enqueue_dma source(%dma_start3A_33 : memref<632x128xf32, #tpu.memory_space<vmem_shared>>) target(%dma_start3A_31 : memref<632x128xf32, #tpu.memory_space<hbm>>) target_semaphore(%run_scoped3A : memref<!tpu.dma_semaphore, #tpu.memory_space<semaphore_mem>>)
      %dma_wait3A = arith.constant 0 : i32
      %dma_wait3A_34 = tpu.memref_slice %arg3[%add3A_30, %dma_wait3A] : memref<20224x128xf32, #tpu.memory_space<hbm>> -> memref<632x128xf32, #tpu.memory_space<hbm>>
      %dma_wait3A_35 = arith.constant 0 : i32
      %dma_wait3A_36 = tpu.memref_slice %arg6[%mul3A_7, %dma_wait3A_35] : memref<10112x128xf32, #tpu.memory_space<vmem_shared>> -> memref<632x128xf32, #tpu.memory_space<vmem_shared>>
      tpu.wait_dma2 semaphore(%run_scoped3A : memref<!tpu.dma_semaphore, #tpu.memory_space<semaphore_mem>>) src(%dma_wait3A_36 : memref<632x128xf32, #tpu.memory_space<vmem_shared>>) dst(%dma_wait3A_34 : memref<632x128xf32, #tpu.memory_space<hbm>>)
      tpu.yield
    }) : () -> ()
    return
  }
}

#map = affine_map<(d0, d1) -> (0, 0, 0)>
#map1 = affine_map<(d0, d1) -> (0, 0)>
module attributes {stable_mosaic.version = 14 : i64} {
  func.func @_sc_aggregate(%arg0: i32, %arg1: i32, %arg2: memref<16x80x128xi32, #tpu.memory_space<hbm>>, %arg3: memref<16x80x128xi32, #tpu.memory_space<hbm>>, %arg4: memref<20000x128xf32, #tpu.memory_space<hbm>>, %arg5: memref<20224x128xf32, #tpu.memory_space<hbm>>, %arg6: memref<16x128xi32, #tpu.memory_space<vmem>>, %arg7: memref<16x128xi32, #tpu.memory_space<vmem>>, %arg8: memref<128x128xf32, #tpu.memory_space<vmem>>, %arg9: memref<128x128xf32, #tpu.memory_space<vmem>>, %arg10: memref<10112x128xf32, #tpu.memory_space<vmem_shared>>, %arg11: memref<!tpu.dma_semaphore, #tpu.memory_space<semaphore_mem>>, %arg12: memref<!tpu.dma_semaphore, #tpu.memory_space<semaphore_mem>>) attributes {dimension_semantics = [#tpu.dimension_semantics<core_parallel>, #tpu.dimension_semantics<subcore_parallel>], iteration_bounds = array<i64: 2, 16>, scalar_prefetch = 0 : i64, scratch_operands = 7 : i64, tpu.core_type = #tpu.core_type<sc_vector_subcore>, window_params = [{transform_indices = #map}, {transform_indices = #map}, {transform_indices = #map1}, {transform_indices = #map1}]} {
    %broadcast_in_dim3A = arith.constant 0.000000e+00 : f32
    %broadcast_in_dim3A_0 = vector.broadcast %broadcast_in_dim3A : f32 to vector<16xf32>
    %scan3A = arith.constant 0 : i32
    %scan3A_1 = arith.constant 128 : i32
    %scan3A_2 = arith.addi %scan3A, %scan3A_1 : i32
    %scan3A_3 = arith.constant 1 : i32
    scf.for %scan3A_23 = %scan3A to %scan3A_2 step %scan3A_3  : i32 {
      %mul3A_24 = arith.constant 1 : i32
      %mul3A_25 = arith.muli %scan3A_23, %mul3A_24 : i32
      %add3A_26 = arith.constant 0 : i32
      %add3A_27 = arith.addi %add3A_26, %mul3A_25 : i32
      %scan3A_28 = arith.constant 0 : i32
      %scan3A_29 = arith.constant 8 : i32
      %scan3A_30 = arith.addi %scan3A_28, %scan3A_29 : i32
      %scan3A_31 = arith.constant 1 : i32
      scf.for %scan3A_33 = %scan3A_28 to %scan3A_30 step %scan3A_31  : i32 {
        %mul3A_34 = arith.constant 1 : i32
        %mul3A_35 = arith.muli %scan3A_33, %mul3A_34 : i32
        %add3A_36 = arith.constant 0 : i32
        %add3A_37 = arith.addi %add3A_36, %mul3A_35 : i32
        %mul3A_38 = arith.constant 16 : i32
        %mul3A_39 = arith.muli %add3A_37, %mul3A_38 : i32
        %swap3A = arith.index_cast %add3A_27 : i32 to index
        %swap3A_40 = arith.index_cast %mul3A_39 : i32 to index
        %swap3A_41 = tpu.vector_load %arg8[%swap3A, %swap3A_40] {strides = array<i32>} : memref<128x128xf32, #tpu.memory_space<vmem>>, vector<1x16xf32>,
        %swap3A_42 = vector.shape_cast %swap3A_41 : vector<1x16xf32> to vector<16xf32>
        %swap3A_43 = vector.shape_cast %broadcast_in_dim3A_0 : vector<16xf32> to vector<1x16xf32>
        tpu.vector_store %arg8[%swap3A, %swap3A_40], %swap3A_43 {strides = array<i32>} : memref<128x128xf32, #tpu.memory_space<vmem>>, vector<1x16xf32>,
      }
      %scan3A_32 = arith.constant 8 : i32
    }
    %scan3A_4 = arith.constant 128 : i32
    %mul3A = arith.constant 632 : i32
    %mul3A_5 = arith.muli %arg1, %mul3A : i32
    %scan3A_6 = arith.constant 0 : i32
    %scan3A_7 = arith.constant 4 : i32
    %scan3A_8 = arith.addi %scan3A_6, %scan3A_7 : i32
    %scan3A_9 = arith.constant 1 : i32
    scf.for %scan3A_23 = %scan3A_6 to %scan3A_8 step %scan3A_9  : i32 {
      %mul3A_24 = arith.constant 1 : i32
      %mul3A_25 = arith.muli %scan3A_23, %mul3A_24 : i32
      %add3A_26 = arith.constant 0 : i32
      %add3A_27 = arith.addi %add3A_26, %mul3A_25 : i32
      %mul3A_28 = arith.constant 128 : i32
      %mul3A_29 = arith.muli %add3A_27, %mul3A_28 : i32
      %add3A_30 = arith.addi %mul3A_5, %mul3A_29 : i32
      "tpu.region"() ({
        %run_scoped3A = tpu.sem_alloc : memref<!tpu.dma_semaphore, #tpu.memory_space<semaphore_mem>>
        %dma_start3A = arith.constant 0 : i32
        %dma_start3A_31 = tpu.memref_slice %arg10[%add3A_30, %dma_start3A] : memref<10112x128xf32, #tpu.memory_space<vmem_shared>> -> memref<128x128xf32, #tpu.memory_space<vmem_shared>>
        %dma_start3A_32 = arith.constant 0 : i32
        %dma_start3A_33 = tpu.memref_slice %arg10[%add3A_30, %dma_start3A_32] : memref<10112x128xf32, #tpu.memory_space<vmem_shared>> -> memref<128x128xf32, #tpu.memory_space<vmem_shared>>
        tpu.enqueue_dma source(%arg8 : memref<128x128xf32, #tpu.memory_space<vmem>>) target(%dma_start3A_33 : memref<128x128xf32, #tpu.memory_space<vmem_shared>>) target_semaphore(%run_scoped3A : memref<!tpu.dma_semaphore, #tpu.memory_space<semaphore_mem>>)
        %dma_wait3A = arith.constant 0 : i32
        %dma_wait3A_34 = tpu.memref_slice %arg10[%add3A_30, %dma_wait3A] : memref<10112x128xf32, #tpu.memory_space<vmem_shared>> -> memref<128x128xf32, #tpu.memory_space<vmem_shared>>
        %dma_wait3A_35 = arith.constant 0 : i32
        %dma_wait3A_36 = tpu.memref_slice %arg10[%add3A_30, %dma_wait3A_35] : memref<10112x128xf32, #tpu.memory_space<vmem_shared>> -> memref<128x128xf32, #tpu.memory_space<vmem_shared>>
        tpu.wait_dma2 semaphore(%run_scoped3A : memref<!tpu.dma_semaphore, #tpu.memory_space<semaphore_mem>>) src(%arg8 : memref<128x128xf32, #tpu.memory_space<vmem>>) dst(%dma_wait3A_36 : memref<128x128xf32, #tpu.memory_space<vmem_shared>>)
        tpu.yield
      }) : () -> ()
    }
    %scan3A_10 = arith.constant 4 : i32
    %add3A = arith.constant 512 : i32
    %add3A_11 = arith.addi %mul3A_5, %add3A : i32
    "tpu.region"() ({
      %run_scoped3A = tpu.sem_alloc : memref<!tpu.dma_semaphore, #tpu.memory_space<semaphore_mem>>
      %dma_start3A = arith.constant 0 : i32
      %dma_start3A_23 = arith.constant 0 : i32
      %dma_start3A_24 = tpu.memref_slice %arg8[%dma_start3A, %dma_start3A_23] : memref<128x128xf32, #tpu.memory_space<vmem>> -> memref<120x128xf32, #tpu.memory_space<vmem>>
      %dma_start3A_25 = arith.constant 0 : i32
      %dma_start3A_26 = tpu.memref_slice %arg10[%add3A_11, %dma_start3A_25] : memref<10112x128xf32, #tpu.memory_space<vmem_shared>> -> memref<120x128xf32, #tpu.memory_space<vmem_shared>>
      %dma_start3A_27 = arith.constant 0 : i32
      %dma_start3A_28 = tpu.memref_slice %arg10[%add3A_11, %dma_start3A_27] : memref<10112x128xf32, #tpu.memory_space<vmem_shared>> -> memref<120x128xf32, #tpu.memory_space<vmem_shared>>
      %dma_start3A_29 = arith.constant 0 : i32
      %dma_start3A_30 = arith.constant 0 : i32
      %dma_start3A_31 = tpu.memref_slice %arg8[%dma_start3A_29, %dma_start3A_30] : memref<128x128xf32, #tpu.memory_space<vmem>> -> memref<120x128xf32, #tpu.memory_space<vmem>>
      tpu.enqueue_dma source(%dma_start3A_31 : memref<120x128xf32, #tpu.memory_space<vmem>>) target(%dma_start3A_28 : memref<120x128xf32, #tpu.memory_space<vmem_shared>>) target_semaphore(%run_scoped3A : memref<!tpu.dma_semaphore, #tpu.memory_space<semaphore_mem>>)
      %dma_wait3A = arith.constant 0 : i32
      %dma_wait3A_32 = arith.constant 0 : i32
      %dma_wait3A_33 = tpu.memref_slice %arg8[%dma_wait3A, %dma_wait3A_32] : memref<128x128xf32, #tpu.memory_space<vmem>> -> memref<120x128xf32, #tpu.memory_space<vmem>>
      %dma_wait3A_34 = arith.constant 0 : i32
      %dma_wait3A_35 = tpu.memref_slice %arg10[%add3A_11, %dma_wait3A_34] : memref<10112x128xf32, #tpu.memory_space<vmem_shared>> -> memref<120x128xf32, #tpu.memory_space<vmem_shared>>
      %dma_wait3A_36 = arith.constant 0 : i32
      %dma_wait3A_37 = tpu.memref_slice %arg10[%add3A_11, %dma_wait3A_36] : memref<10112x128xf32, #tpu.memory_space<vmem_shared>> -> memref<120x128xf32, #tpu.memory_space<vmem_shared>>
      %dma_wait3A_38 = arith.constant 0 : i32
      %dma_wait3A_39 = arith.constant 0 : i32
      %dma_wait3A_40 = tpu.memref_slice %arg8[%dma_wait3A_38, %dma_wait3A_39] : memref<128x128xf32, #tpu.memory_space<vmem>> -> memref<120x128xf32, #tpu.memory_space<vmem>>
      tpu.wait_dma2 semaphore(%run_scoped3A : memref<!tpu.dma_semaphore, #tpu.memory_space<semaphore_mem>>) src(%dma_wait3A_40 : memref<120x128xf32, #tpu.memory_space<vmem>>) dst(%dma_wait3A_37 : memref<120x128xf32, #tpu.memory_space<vmem_shared>>)
      tpu.yield
    }) : () -> ()
    %mul3A_12 = arith.constant 10000 : i32
    %mul3A_13 = arith.muli %arg0, %mul3A_12 : i32
    %barrier3A = arith.constant 0 : index
    tpu.barrier barrier_id(%barrier3A)
    %scan3A_14 = arith.constant 0 : i32
    %scan3A_15 = arith.constant 5 : i32
    %scan3A_16 = arith.addi %scan3A_14, %scan3A_15 : i32
    %scan3A_17 = arith.constant 1 : i32
    scf.for %scan3A_23 = %scan3A_14 to %scan3A_16 step %scan3A_17  : i32 {
      %mul3A_24 = arith.constant 1 : i32
      %mul3A_25 = arith.muli %scan3A_23, %mul3A_24 : i32
      %add3A_26 = arith.constant 0 : i32
      %add3A_27 = arith.addi %add3A_26, %mul3A_25 : i32
      %mul3A_28 = arith.constant 16 : i32
      %mul3A_29 = arith.muli %add3A_27, %mul3A_28 : i32
      "tpu.region"() ({
        %run_scoped3A_69 = tpu.sem_alloc : memref<!tpu.dma_semaphore, #tpu.memory_space<semaphore_mem>>
        %dma_start3A_70 = arith.constant 0 : i32
        %dma_start3A_71 = tpu.memref_slice %arg2[%arg1, %mul3A_29, %dma_start3A_70] : memref<16x80x128xi32, #tpu.memory_space<hbm>> -> memref<1x16x128xi32, #tpu.memory_space<hbm>>
        %dma_start3A_72 = tpu.memref_squeeze %dma_start3A_71 : memref<1x16x128xi32, #tpu.memory_space<hbm>> -> memref<16x128xi32, #tpu.memory_space<hbm>>
        %dma_start3A_73 = arith.constant 0 : i32
        %dma_start3A_74 = tpu.memref_slice %arg2[%arg1, %mul3A_29, %dma_start3A_73] : memref<16x80x128xi32, #tpu.memory_space<hbm>> -> memref<1x16x128xi32, #tpu.memory_space<hbm>>
        %dma_start3A_75 = tpu.memref_squeeze %dma_start3A_74 : memref<1x16x128xi32, #tpu.memory_space<hbm>> -> memref<16x128xi32, #tpu.memory_space<hbm>>
        tpu.enqueue_dma source(%dma_start3A_75 : memref<16x128xi32, #tpu.memory_space<hbm>>) target(%arg6 : memref<16x128xi32, #tpu.memory_space<vmem>>) target_semaphore(%run_scoped3A_69 : memref<!tpu.dma_semaphore, #tpu.memory_space<semaphore_mem>>)
        %dma_wait3A_76 = arith.constant 0 : i32
        %dma_wait3A_77 = tpu.memref_slice %arg2[%arg1, %mul3A_29, %dma_wait3A_76] : memref<16x80x128xi32, #tpu.memory_space<hbm>> -> memref<1x16x128xi32, #tpu.memory_space<hbm>>
        %dma_wait3A_78 = tpu.memref_squeeze %dma_wait3A_77 : memref<1x16x128xi32, #tpu.memory_space<hbm>> -> memref<16x128xi32, #tpu.memory_space<hbm>>
        %dma_wait3A_79 = arith.constant 0 : i32
        %dma_wait3A_80 = tpu.memref_slice %arg2[%arg1, %mul3A_29, %dma_wait3A_79] : memref<16x80x128xi32, #tpu.memory_space<hbm>> -> memref<1x16x128xi32, #tpu.memory_space<hbm>>
        %dma_wait3A_81 = tpu.memref_squeeze %dma_wait3A_80 : memref<1x16x128xi32, #tpu.memory_space<hbm>> -> memref<16x128xi32, #tpu.memory_space<hbm>>
        tpu.wait_dma2 semaphore(%run_scoped3A_69 : memref<!tpu.dma_semaphore, #tpu.memory_space<semaphore_mem>>) src(%dma_wait3A_81 : memref<16x128xi32, #tpu.memory_space<hbm>>) dst(%arg6 : memref<16x128xi32, #tpu.memory_space<vmem>>)
        tpu.yield
      }) : () -> ()
      %mul3A_30 = arith.constant 16 : i32
      %mul3A_31 = arith.muli %add3A_27, %mul3A_30 : i32
      "tpu.region"() ({
        %run_scoped3A_69 = tpu.sem_alloc : memref<!tpu.dma_semaphore, #tpu.memory_space<semaphore_mem>>
        %dma_start3A_70 = arith.constant 0 : i32
        %dma_start3A_71 = tpu.memref_slice %arg3[%arg1, %mul3A_31, %dma_start3A_70] : memref<16x80x128xi32, #tpu.memory_space<hbm>> -> memref<1x16x128xi32, #tpu.memory_space<hbm>>
        %dma_start3A_72 = tpu.memref_squeeze %dma_start3A_71 : memref<1x16x128xi32, #tpu.memory_space<hbm>> -> memref<16x128xi32, #tpu.memory_space<hbm>>
        %dma_start3A_73 = arith.constant 0 : i32
        %dma_start3A_74 = tpu.memref_slice %arg3[%arg1, %mul3A_31, %dma_start3A_73] : memref<16x80x128xi32, #tpu.memory_space<hbm>> -> memref<1x16x128xi32, #tpu.memory_space<hbm>>
        %dma_start3A_75 = tpu.memref_squeeze %dma_start3A_74 : memref<1x16x128xi32, #tpu.memory_space<hbm>> -> memref<16x128xi32, #tpu.memory_space<hbm>>
        tpu.enqueue_dma source(%dma_start3A_75 : memref<16x128xi32, #tpu.memory_space<hbm>>) target(%arg7 : memref<16x128xi32, #tpu.memory_space<vmem>>) target_semaphore(%run_scoped3A_69 : memref<!tpu.dma_semaphore, #tpu.memory_space<semaphore_mem>>)
        %dma_wait3A_76 = arith.constant 0 : i32
        %dma_wait3A_77 = tpu.memref_slice %arg3[%arg1, %mul3A_31, %dma_wait3A_76] : memref<16x80x128xi32, #tpu.memory_space<hbm>> -> memref<1x16x128xi32, #tpu.memory_space<hbm>>
        %dma_wait3A_78 = tpu.memref_squeeze %dma_wait3A_77 : memref<1x16x128xi32, #tpu.memory_space<hbm>> -> memref<16x128xi32, #tpu.memory_space<hbm>>
        %dma_wait3A_79 = arith.constant 0 : i32
        %dma_wait3A_80 = tpu.memref_slice %arg3[%arg1, %mul3A_31, %dma_wait3A_79] : memref<16x80x128xi32, #tpu.memory_space<hbm>> -> memref<1x16x128xi32, #tpu.memory_space<hbm>>
        %dma_wait3A_81 = tpu.memref_squeeze %dma_wait3A_80 : memref<1x16x128xi32, #tpu.memory_space<hbm>> -> memref<16x128xi32, #tpu.memory_space<hbm>>
        tpu.wait_dma2 semaphore(%run_scoped3A_69 : memref<!tpu.dma_semaphore, #tpu.memory_space<semaphore_mem>>) src(%dma_wait3A_81 : memref<16x128xi32, #tpu.memory_space<hbm>>) dst(%arg7 : memref<16x128xi32, #tpu.memory_space<vmem>>)
        tpu.yield
      }) : () -> ()
      %scan3A_32 = arith.constant 0 : i32
      %scan3A_33 = arith.constant 16 : i32
      %scan3A_34 = arith.addi %scan3A_32, %scan3A_33 : i32
      %scan3A_35 = arith.constant 1 : i32
      scf.for %scan3A_69 = %scan3A_32 to %scan3A_34 step %scan3A_35  : i32 {
        %mul3A_70 = arith.constant 1 : i32
        %mul3A_71 = arith.muli %scan3A_69, %mul3A_70 : i32
        %add3A_72 = arith.constant 0 : i32
        %add3A_73 = arith.addi %add3A_72, %mul3A_71 : i32
        %scan3A_74 = arith.constant 0 : i32
        %scan3A_75 = arith.constant 8 : i32
        %scan3A_76 = arith.addi %scan3A_74, %scan3A_75 : i32
        %scan3A_77 = arith.constant 1 : i32
        scf.for %scan3A_79 = %scan3A_74 to %scan3A_76 step %scan3A_77  : i32 {
          %mul3A_80 = arith.constant 1 : i32
          %mul3A_81 = arith.muli %scan3A_79, %mul3A_80 : i32
          %add3A_82 = arith.constant 0 : i32
          %add3A_83 = arith.addi %add3A_82, %mul3A_81 : i32
          %mul3A_84 = arith.constant 16 : i32
          %mul3A_85 = arith.muli %add3A_83, %mul3A_84 : i32
          %get3A = arith.index_cast %add3A_73 : i32 to index
          %get3A_86 = arith.index_cast %mul3A_85 : i32 to index
          %get3A_87 = tpu.vector_load %arg6[%get3A, %get3A_86] {strides = array<i32>} : memref<16x128xi32, #tpu.memory_space<vmem>>, vector<1x16xi32>,
          %get3A_88 = vector.shape_cast %get3A_87 : vector<1x16xi32> to vector<16xi32>
          %add3A_89 = vector.broadcast %mul3A_13 : i32 to vector<16xi32>
          %add3A_90 = arith.addi %get3A_88, %add3A_89 : vector<16xi32>
          %mul3A_91 = arith.constant 16 : i32
          %mul3A_92 = arith.muli %add3A_83, %mul3A_91 : i32
          %swap3A = arith.index_cast %add3A_73 : i32 to index
          %swap3A_93 = arith.index_cast %mul3A_92 : i32 to index
          %swap3A_94 = tpu.vector_load %arg6[%swap3A, %swap3A_93] {strides = array<i32>} : memref<16x128xi32, #tpu.memory_space<vmem>>, vector<1x16xi32>,
          %swap3A_95 = vector.shape_cast %swap3A_94 : vector<1x16xi32> to vector<16xi32>
          %swap3A_96 = vector.shape_cast %add3A_90 : vector<16xi32> to vector<1x16xi32>
          tpu.vector_store %arg6[%swap3A, %swap3A_93], %swap3A_96 {strides = array<i32>} : memref<16x128xi32, #tpu.memory_space<vmem>>, vector<1x16xi32>,
        }
        %scan3A_78 = arith.constant 8 : i32
      }
      %scan3A_36 = arith.constant 16 : i32
      %dma_start3A = arith.constant 0 : i32
      %dma_start3A_37 = arith.constant 0 : i32
      %dma_start3A_38 = tpu.memref_slice %arg6[%dma_start3A, %dma_start3A_37] : memref<16x128xi32, #tpu.memory_space<vmem>> -> memref<1x128xi32, #tpu.memory_space<vmem>>
      %dma_start3A_39 = tpu.memref_squeeze %dma_start3A_38 : memref<1x128xi32, #tpu.memory_space<vmem>> -> memref<128xi32, #tpu.memory_space<vmem>>
      %dma_start3A_40 = arith.constant 0 : i32
      %dma_start3A_41 = arith.constant 0 : i32
      %dma_start3A_42 = tpu.memref_slice %arg4[%dma_start3A_40, %dma_start3A_41] : memref<20000x128xf32, #tpu.memory_space<hbm>> -> memref<20000x128xf32, #tpu.memory_space<hbm>>
      tpu.enqueue_indirect_dma source(%dma_start3A_42 : memref<20000x128xf32, #tpu.memory_space<hbm>>) target(%arg8 : memref<128x128xf32, #tpu.memory_space<vmem>>) offsets(%dma_start3A_39 : memref<128xi32, #tpu.memory_space<vmem>>) semaphore(%arg11 : memref<!tpu.dma_semaphore, #tpu.memory_space<semaphore_mem>>)
      %dma_wait3A = arith.constant 0 : i32
      %dma_wait3A_43 = arith.constant 0 : i32
      %dma_wait3A_44 = tpu.memref_slice %arg6[%dma_wait3A, %dma_wait3A_43] : memref<16x128xi32, #tpu.memory_space<vmem>> -> memref<1x128xi32, #tpu.memory_space<vmem>>
      %dma_wait3A_45 = tpu.memref_squeeze %dma_wait3A_44 : memref<1x128xi32, #tpu.memory_space<vmem>> -> memref<128xi32, #tpu.memory_space<vmem>>
      %dma_wait3A_46 = arith.constant 0 : i32
      %dma_wait3A_47 = arith.constant 0 : i32
      %dma_wait3A_48 = tpu.memref_slice %arg4[%dma_wait3A_46, %dma_wait3A_47] : memref<20000x128xf32, #tpu.memory_space<hbm>> -> memref<20000x128xf32, #tpu.memory_space<hbm>>
      tpu.wait_indirect_dma semaphore(%arg11 : memref<!tpu.dma_semaphore, #tpu.memory_space<semaphore_mem>>) src(%dma_wait3A_48 : memref<20000x128xf32, #tpu.memory_space<hbm>>) dst(%arg8 : memref<128x128xf32, #tpu.memory_space<vmem>>)
      %scan3A_49 = arith.constant 0 : i32
      %scan3A_50 = arith.constant 7 : i32
      %scan3A_51 = arith.addi %scan3A_49, %scan3A_50 : i32
      %scan3A_52 = arith.constant 1 : i32
      scf.for %scan3A_69 = %scan3A_49 to %scan3A_51 step %scan3A_52  : i32 {
        %mul3A_70 = arith.constant 1 : i32
        %mul3A_71 = arith.muli %scan3A_69, %mul3A_70 : i32
        %add3A_72 = arith.constant 0 : i32
        %add3A_73 = arith.addi %add3A_72, %mul3A_71 : i32
        %mul3A_74 = arith.constant 2 : i32
        %mul3A_75 = arith.muli %add3A_73, %mul3A_74 : i32
        %add3A_76 = arith.constant 1 : i32
        %add3A_77 = arith.addi %mul3A_75, %add3A_76 : i32
        %dma_start3A_78 = arith.constant 0 : i32
        %dma_start3A_79 = tpu.memref_slice %arg6[%add3A_77, %dma_start3A_78] : memref<16x128xi32, #tpu.memory_space<vmem>> -> memref<1x128xi32, #tpu.memory_space<vmem>>
        %dma_start3A_80 = tpu.memref_squeeze %dma_start3A_79 : memref<1x128xi32, #tpu.memory_space<vmem>> -> memref<128xi32, #tpu.memory_space<vmem>>
        %dma_start3A_81 = arith.constant 0 : i32
        %dma_start3A_82 = arith.constant 0 : i32
        %dma_start3A_83 = tpu.memref_slice %arg4[%dma_start3A_81, %dma_start3A_82] : memref<20000x128xf32, #tpu.memory_space<hbm>> -> memref<20000x128xf32, #tpu.memory_space<hbm>>
        tpu.enqueue_indirect_dma source(%dma_start3A_83 : memref<20000x128xf32, #tpu.memory_space<hbm>>) target(%arg9 : memref<128x128xf32, #tpu.memory_space<vmem>>) offsets(%dma_start3A_80 : memref<128xi32, #tpu.memory_space<vmem>>) semaphore(%arg12 : memref<!tpu.dma_semaphore, #tpu.memory_space<semaphore_mem>>)
        "tpu.region"() ({
          %run_scoped3A_106 = tpu.sem_alloc : memref<!tpu.dma_semaphore, #tpu.memory_space<semaphore_mem>>
          %dma_start3A_107 = arith.constant 0 : i32
          %dma_start3A_108 = tpu.memref_slice %arg7[%mul3A_75, %dma_start3A_107] : memref<16x128xi32, #tpu.memory_space<vmem>> -> memref<1x128xi32, #tpu.memory_space<vmem>>
          %dma_start3A_109 = tpu.memref_squeeze %dma_start3A_108 : memref<1x128xi32, #tpu.memory_space<vmem>> -> memref<128xi32, #tpu.memory_space<vmem>>
          %dma_start3A_110 = arith.constant 0 : i32
          %dma_start3A_111 = arith.constant 0 : i32
          %dma_start3A_112 = tpu.memref_slice %arg10[%dma_start3A_110, %dma_start3A_111] : memref<10112x128xf32, #tpu.memory_space<vmem_shared>> -> memref<10112x128xf32, #tpu.memory_space<vmem_shared>>
          tpu.enqueue_indirect_dma source(%arg8 : memref<128x128xf32, #tpu.memory_space<vmem>>) target(%dma_start3A_112 : memref<10112x128xf32, #tpu.memory_space<vmem_shared>>) offsets(%dma_start3A_109 : memref<128xi32, #tpu.memory_space<vmem>>) semaphore(%run_scoped3A_106 : memref<!tpu.dma_semaphore, #tpu.memory_space<semaphore_mem>>) {add = true}
          %dma_wait3A_113 = arith.constant 0 : i32
          %dma_wait3A_114 = tpu.memref_slice %arg7[%mul3A_75, %dma_wait3A_113] : memref<16x128xi32, #tpu.memory_space<vmem>> -> memref<1x128xi32, #tpu.memory_space<vmem>>
          %dma_wait3A_115 = tpu.memref_squeeze %dma_wait3A_114 : memref<1x128xi32, #tpu.memory_space<vmem>> -> memref<128xi32, #tpu.memory_space<vmem>>
          %dma_wait3A_116 = arith.constant 0 : i32
          %dma_wait3A_117 = arith.constant 0 : i32
          %dma_wait3A_118 = tpu.memref_slice %arg10[%dma_wait3A_116, %dma_wait3A_117] : memref<10112x128xf32, #tpu.memory_space<vmem_shared>> -> memref<10112x128xf32, #tpu.memory_space<vmem_shared>>
          tpu.wait_indirect_dma semaphore(%run_scoped3A_106 : memref<!tpu.dma_semaphore, #tpu.memory_space<semaphore_mem>>) src(%arg8 : memref<128x128xf32, #tpu.memory_space<vmem>>) dst(%dma_wait3A_118 : memref<10112x128xf32, #tpu.memory_space<vmem_shared>>)
          tpu.yield
        }) : () -> ()
        %dma_wait3A_84 = arith.constant 0 : i32
        %dma_wait3A_85 = tpu.memref_slice %arg6[%add3A_77, %dma_wait3A_84] : memref<16x128xi32, #tpu.memory_space<vmem>> -> memref<1x128xi32, #tpu.memory_space<vmem>>
        %dma_wait3A_86 = tpu.memref_squeeze %dma_wait3A_85 : memref<1x128xi32, #tpu.memory_space<vmem>> -> memref<128xi32, #tpu.memory_space<vmem>>
        %dma_wait3A_87 = arith.constant 0 : i32
        %dma_wait3A_88 = arith.constant 0 : i32
        %dma_wait3A_89 = tpu.memref_slice %arg4[%dma_wait3A_87, %dma_wait3A_88] : memref<20000x128xf32, #tpu.memory_space<hbm>> -> memref<20000x128xf32, #tpu.memory_space<hbm>>
        tpu.wait_indirect_dma semaphore(%arg12 : memref<!tpu.dma_semaphore, #tpu.memory_space<semaphore_mem>>) src(%dma_wait3A_89 : memref<20000x128xf32, #tpu.memory_space<hbm>>) dst(%arg9 : memref<128x128xf32, #tpu.memory_space<vmem>>)
        %add3A_90 = arith.constant 2 : i32
        %add3A_91 = arith.addi %mul3A_75, %add3A_90 : i32
        %dma_start3A_92 = arith.constant 0 : i32
        %dma_start3A_93 = tpu.memref_slice %arg6[%add3A_91, %dma_start3A_92] : memref<16x128xi32, #tpu.memory_space<vmem>> -> memref<1x128xi32, #tpu.memory_space<vmem>>
        %dma_start3A_94 = tpu.memref_squeeze %dma_start3A_93 : memref<1x128xi32, #tpu.memory_space<vmem>> -> memref<128xi32, #tpu.memory_space<vmem>>
        %dma_start3A_95 = arith.constant 0 : i32
        %dma_start3A_96 = arith.constant 0 : i32
        %dma_start3A_97 = tpu.memref_slice %arg4[%dma_start3A_95, %dma_start3A_96] : memref<20000x128xf32, #tpu.memory_space<hbm>> -> memref<20000x128xf32, #tpu.memory_space<hbm>>
        tpu.enqueue_indirect_dma source(%dma_start3A_97 : memref<20000x128xf32, #tpu.memory_space<hbm>>) target(%arg8 : memref<128x128xf32, #tpu.memory_space<vmem>>) offsets(%dma_start3A_94 : memref<128xi32, #tpu.memory_space<vmem>>) semaphore(%arg11 : memref<!tpu.dma_semaphore, #tpu.memory_space<semaphore_mem>>)
        %add3A_98 = arith.constant 1 : i32
        %add3A_99 = arith.addi %mul3A_75, %add3A_98 : i32
        "tpu.region"() ({
          %run_scoped3A_106 = tpu.sem_alloc : memref<!tpu.dma_semaphore, #tpu.memory_space<semaphore_mem>>
          %dma_start3A_107 = arith.constant 0 : i32
          %dma_start3A_108 = tpu.memref_slice %arg7[%add3A_99, %dma_start3A_107] : memref<16x128xi32, #tpu.memory_space<vmem>> -> memref<1x128xi32, #tpu.memory_space<vmem>>
          %dma_start3A_109 = tpu.memref_squeeze %dma_start3A_108 : memref<1x128xi32, #tpu.memory_space<vmem>> -> memref<128xi32, #tpu.memory_space<vmem>>
          %dma_start3A_110 = arith.constant 0 : i32
          %dma_start3A_111 = arith.constant 0 : i32
          %dma_start3A_112 = tpu.memref_slice %arg10[%dma_start3A_110, %dma_start3A_111] : memref<10112x128xf32, #tpu.memory_space<vmem_shared>> -> memref<10112x128xf32, #tpu.memory_space<vmem_shared>>
          tpu.enqueue_indirect_dma source(%arg9 : memref<128x128xf32, #tpu.memory_space<vmem>>) target(%dma_start3A_112 : memref<10112x128xf32, #tpu.memory_space<vmem_shared>>) offsets(%dma_start3A_109 : memref<128xi32, #tpu.memory_space<vmem>>) semaphore(%run_scoped3A_106 : memref<!tpu.dma_semaphore, #tpu.memory_space<semaphore_mem>>) {add = true}
          %dma_wait3A_113 = arith.constant 0 : i32
          %dma_wait3A_114 = tpu.memref_slice %arg7[%add3A_99, %dma_wait3A_113] : memref<16x128xi32, #tpu.memory_space<vmem>> -> memref<1x128xi32, #tpu.memory_space<vmem>>
          %dma_wait3A_115 = tpu.memref_squeeze %dma_wait3A_114 : memref<1x128xi32, #tpu.memory_space<vmem>> -> memref<128xi32, #tpu.memory_space<vmem>>
          %dma_wait3A_116 = arith.constant 0 : i32
          %dma_wait3A_117 = arith.constant 0 : i32
          %dma_wait3A_118 = tpu.memref_slice %arg10[%dma_wait3A_116, %dma_wait3A_117] : memref<10112x128xf32, #tpu.memory_space<vmem_shared>> -> memref<10112x128xf32, #tpu.memory_space<vmem_shared>>
          tpu.wait_indirect_dma semaphore(%run_scoped3A_106 : memref<!tpu.dma_semaphore, #tpu.memory_space<semaphore_mem>>) src(%arg9 : memref<128x128xf32, #tpu.memory_space<vmem>>) dst(%dma_wait3A_118 : memref<10112x128xf32, #tpu.memory_space<vmem_shared>>)
          tpu.yield
        }) : () -> ()
        %dma_wait3A_100 = arith.constant 0 : i32
        %dma_wait3A_101 = tpu.memref_slice %arg6[%add3A_91, %dma_wait3A_100] : memref<16x128xi32, #tpu.memory_space<vmem>> -> memref<1x128xi32, #tpu.memory_space<vmem>>
        %dma_wait3A_102 = tpu.memref_squeeze %dma_wait3A_101 : memref<1x128xi32, #tpu.memory_space<vmem>> -> memref<128xi32, #tpu.memory_space<vmem>>
        %dma_wait3A_103 = arith.constant 0 : i32
        %dma_wait3A_104 = arith.constant 0 : i32
        %dma_wait3A_105 = tpu.memref_slice %arg4[%dma_wait3A_103, %dma_wait3A_104] : memref<20000x128xf32, #tpu.memory_space<hbm>> -> memref<20000x128xf32, #tpu.memory_space<hbm>>
        tpu.wait_indirect_dma semaphore(%arg11 : memref<!tpu.dma_semaphore, #tpu.memory_space<semaphore_mem>>) src(%dma_wait3A_105 : memref<20000x128xf32, #tpu.memory_space<hbm>>) dst(%arg8 : memref<128x128xf32, #tpu.memory_space<vmem>>)
      }
      %scan3A_53 = arith.constant 7 : i32
      %dma_start3A_54 = arith.constant 15 : i32
      %dma_start3A_55 = arith.constant 0 : i32
      %dma_start3A_56 = tpu.memref_slice %arg6[%dma_start3A_54, %dma_start3A_55] : memref<16x128xi32, #tpu.memory_space<vmem>> -> memref<1x128xi32, #tpu.memory_space<vmem>>
      %dma_start3A_57 = tpu.memref_squeeze %dma_start3A_56 : memref<1x128xi32, #tpu.memory_space<vmem>> -> memref<128xi32, #tpu.memory_space<vmem>>
      %dma_start3A_58 = arith.constant 0 : i32
      %dma_start3A_59 = arith.constant 0 : i32
      %dma_start3A_60 = tpu.memref_slice %arg4[%dma_start3A_58, %dma_start3A_59] : memref<20000x128xf32, #tpu.memory_space<hbm>> -> memref<20000x128xf32, #tpu.memory_space<hbm>>
      tpu.enqueue_indirect_dma source(%dma_start3A_60 : memref<20000x128xf32, #tpu.memory_space<hbm>>) target(%arg9 : memref<128x128xf32, #tpu.memory_space<vmem>>) offsets(%dma_start3A_57 : memref<128xi32, #tpu.memory_space<vmem>>) semaphore(%arg12 : memref<!tpu.dma_semaphore, #tpu.memory_space<semaphore_mem>>)
      %run_scoped3A = arith.constant 14 : i32
      "tpu.region"() ({
        %run_scoped3A_69 = tpu.sem_alloc : memref<!tpu.dma_semaphore, #tpu.memory_space<semaphore_mem>>
        %dma_start3A_70 = arith.constant 0 : i32
        %dma_start3A_71 = tpu.memref_slice %arg7[%run_scoped3A, %dma_start3A_70] : memref<16x128xi32, #tpu.memory_space<vmem>> -> memref<1x128xi32, #tpu.memory_space<vmem>>
        %dma_start3A_72 = tpu.memref_squeeze %dma_start3A_71 : memref<1x128xi32, #tpu.memory_space<vmem>> -> memref<128xi32, #tpu.memory_space<vmem>>
        %dma_start3A_73 = arith.constant 0 : i32
        %dma_start3A_74 = arith.constant 0 : i32
        %dma_start3A_75 = tpu.memref_slice %arg10[%dma_start3A_73, %dma_start3A_74] : memref<10112x128xf32, #tpu.memory_space<vmem_shared>> -> memref<10112x128xf32, #tpu.memory_space<vmem_shared>>
        tpu.enqueue_indirect_dma source(%arg8 : memref<128x128xf32, #tpu.memory_space<vmem>>) target(%dma_start3A_75 : memref<10112x128xf32, #tpu.memory_space<vmem_shared>>) offsets(%dma_start3A_72 : memref<128xi32, #tpu.memory_space<vmem>>) semaphore(%run_scoped3A_69 : memref<!tpu.dma_semaphore, #tpu.memory_space<semaphore_mem>>) {add = true}
        %dma_wait3A_76 = arith.constant 0 : i32
        %dma_wait3A_77 = tpu.memref_slice %arg7[%run_scoped3A, %dma_wait3A_76] : memref<16x128xi32, #tpu.memory_space<vmem>> -> memref<1x128xi32, #tpu.memory_space<vmem>>
        %dma_wait3A_78 = tpu.memref_squeeze %dma_wait3A_77 : memref<1x128xi32, #tpu.memory_space<vmem>> -> memref<128xi32, #tpu.memory_space<vmem>>
        %dma_wait3A_79 = arith.constant 0 : i32
        %dma_wait3A_80 = arith.constant 0 : i32
        %dma_wait3A_81 = tpu.memref_slice %arg10[%dma_wait3A_79, %dma_wait3A_80] : memref<10112x128xf32, #tpu.memory_space<vmem_shared>> -> memref<10112x128xf32, #tpu.memory_space<vmem_shared>>
        tpu.wait_indirect_dma semaphore(%run_scoped3A_69 : memref<!tpu.dma_semaphore, #tpu.memory_space<semaphore_mem>>) src(%arg8 : memref<128x128xf32, #tpu.memory_space<vmem>>) dst(%dma_wait3A_81 : memref<10112x128xf32, #tpu.memory_space<vmem_shared>>)
        tpu.yield
      }) : () -> ()
      %dma_wait3A_61 = arith.constant 15 : i32
      %dma_wait3A_62 = arith.constant 0 : i32
      %dma_wait3A_63 = tpu.memref_slice %arg6[%dma_wait3A_61, %dma_wait3A_62] : memref<16x128xi32, #tpu.memory_space<vmem>> -> memref<1x128xi32, #tpu.memory_space<vmem>>
      %dma_wait3A_64 = tpu.memref_squeeze %dma_wait3A_63 : memref<1x128xi32, #tpu.memory_space<vmem>> -> memref<128xi32, #tpu.memory_space<vmem>>
      %dma_wait3A_65 = arith.constant 0 : i32
      %dma_wait3A_66 = arith.constant 0 : i32
      %dma_wait3A_67 = tpu.memref_slice %arg4[%dma_wait3A_65, %dma_wait3A_66] : memref<20000x128xf32, #tpu.memory_space<hbm>> -> memref<20000x128xf32, #tpu.memory_space<hbm>>
      tpu.wait_indirect_dma semaphore(%arg12 : memref<!tpu.dma_semaphore, #tpu.memory_space<semaphore_mem>>) src(%dma_wait3A_67 : memref<20000x128xf32, #tpu.memory_space<hbm>>) dst(%arg9 : memref<128x128xf32, #tpu.memory_space<vmem>>)
      %run_scoped3A_68 = arith.constant 15 : i32
      "tpu.region"() ({
        %run_scoped3A_69 = tpu.sem_alloc : memref<!tpu.dma_semaphore, #tpu.memory_space<semaphore_mem>>
        %dma_start3A_70 = arith.constant 0 : i32
        %dma_start3A_71 = tpu.memref_slice %arg7[%run_scoped3A_68, %dma_start3A_70] : memref<16x128xi32, #tpu.memory_space<vmem>> -> memref<1x128xi32, #tpu.memory_space<vmem>>
        %dma_start3A_72 = tpu.memref_squeeze %dma_start3A_71 : memref<1x128xi32, #tpu.memory_space<vmem>> -> memref<128xi32, #tpu.memory_space<vmem>>
        %dma_start3A_73 = arith.constant 0 : i32
        %dma_start3A_74 = arith.constant 0 : i32
        %dma_start3A_75 = tpu.memref_slice %arg10[%dma_start3A_73, %dma_start3A_74] : memref<10112x128xf32, #tpu.memory_space<vmem_shared>> -> memref<10112x128xf32, #tpu.memory_space<vmem_shared>>
        tpu.enqueue_indirect_dma source(%arg9 : memref<128x128xf32, #tpu.memory_space<vmem>>) target(%dma_start3A_75 : memref<10112x128xf32, #tpu.memory_space<vmem_shared>>) offsets(%dma_start3A_72 : memref<128xi32, #tpu.memory_space<vmem>>) semaphore(%run_scoped3A_69 : memref<!tpu.dma_semaphore, #tpu.memory_space<semaphore_mem>>) {add = true}
        %dma_wait3A_76 = arith.constant 0 : i32
        %dma_wait3A_77 = tpu.memref_slice %arg7[%run_scoped3A_68, %dma_wait3A_76] : memref<16x128xi32, #tpu.memory_space<vmem>> -> memref<1x128xi32, #tpu.memory_space<vmem>>
        %dma_wait3A_78 = tpu.memref_squeeze %dma_wait3A_77 : memref<1x128xi32, #tpu.memory_space<vmem>> -> memref<128xi32, #tpu.memory_space<vmem>>
        %dma_wait3A_79 = arith.constant 0 : i32
        %dma_wait3A_80 = arith.constant 0 : i32
        %dma_wait3A_81 = tpu.memref_slice %arg10[%dma_wait3A_79, %dma_wait3A_80] : memref<10112x128xf32, #tpu.memory_space<vmem_shared>> -> memref<10112x128xf32, #tpu.memory_space<vmem_shared>>
        tpu.wait_indirect_dma semaphore(%run_scoped3A_69 : memref<!tpu.dma_semaphore, #tpu.memory_space<semaphore_mem>>) src(%arg9 : memref<128x128xf32, #tpu.memory_space<vmem>>) dst(%dma_wait3A_81 : memref<10112x128xf32, #tpu.memory_space<vmem_shared>>)
        tpu.yield
      }) : () -> ()
    }
    %scan3A_18 = arith.constant 5 : i32
    %barrier3A_19 = arith.constant 0 : index
    tpu.barrier barrier_id(%barrier3A_19)
    %mul3A_20 = arith.constant 10112 : i32
    %mul3A_21 = arith.muli %arg0, %mul3A_20 : i32
    %add3A_22 = arith.addi %mul3A_21, %mul3A_5 : i32
    "tpu.region"() ({
      %run_scoped3A = tpu.sem_alloc : memref<!tpu.dma_semaphore, #tpu.memory_space<semaphore_mem>>
      %dma_start3A = arith.constant 0 : i32
      %dma_start3A_23 = tpu.memref_slice %arg5[%add3A_22, %dma_start3A] : memref<20224x128xf32, #tpu.memory_space<hbm>> -> memref<632x128xf32, #tpu.memory_space<hbm>>
      %dma_start3A_24 = arith.constant 0 : i32
      %dma_start3A_25 = tpu.memref_slice %arg10[%mul3A_5, %dma_start3A_24] : memref<10112x128xf32, #tpu.memory_space<vmem_shared>> -> memref<632x128xf32, #tpu.memory_space<vmem_shared>>
      tpu.enqueue_dma source(%dma_start3A_25 : memref<632x128xf32, #tpu.memory_space<vmem_shared>>) target(%dma_start3A_23 : memref<632x128xf32, #tpu.memory_space<hbm>>) target_semaphore(%run_scoped3A : memref<!tpu.dma_semaphore, #tpu.memory_space<semaphore_mem>>)
      %dma_wait3A = arith.constant 0 : i32
      %dma_wait3A_26 = tpu.memref_slice %arg5[%add3A_22, %dma_wait3A] : memref<20224x128xf32, #tpu.memory_space<hbm>> -> memref<632x128xf32, #tpu.memory_space<hbm>>
      %dma_wait3A_27 = arith.constant 0 : i32
      %dma_wait3A_28 = tpu.memref_slice %arg10[%mul3A_5, %dma_wait3A_27] : memref<10112x128xf32, #tpu.memory_space<vmem_shared>> -> memref<632x128xf32, #tpu.memory_space<vmem_shared>>
      tpu.wait_dma2 semaphore(%run_scoped3A : memref<!tpu.dma_semaphore, #tpu.memory_space<semaphore_mem>>) src(%dma_wait3A_28 : memref<632x128xf32, #tpu.memory_space<vmem_shared>>) dst(%dma_wait3A_26 : memref<632x128xf32, #tpu.memory_space<hbm>>)
      tpu.yield
    }) : () -> ()
    return
  }
}

#map = affine_map<(d0, d1) -> (0, 0, 0)>
#map1 = affine_map<(d0, d1) -> (0, 0)>
module attributes {stable_mosaic.version = 14 : i64} {
  func.func @_sc_aggregate(%arg0: i32, %arg1: i32, %arg2: memref<16x80x128xi32, #tpu.memory_space<hbm>>, %arg3: memref<16x80x128xi32, #tpu.memory_space<hbm>>, %arg4: memref<20000x128xf32, #tpu.memory_space<hbm>>, %arg5: memref<20224x128xf32, #tpu.memory_space<hbm>>, %arg6: memref<16x128xi32, #tpu.memory_space<vmem>>, %arg7: memref<16x128xi32, #tpu.memory_space<vmem>>, %arg8: memref<128x128xf32, #tpu.memory_space<vmem>>, %arg9: memref<128x128xf32, #tpu.memory_space<vmem>>, %arg10: memref<10112x128xf32, #tpu.memory_space<vmem_shared>>, %arg11: memref<!tpu.dma_semaphore, #tpu.memory_space<semaphore_mem>>, %arg12: memref<!tpu.dma_semaphore, #tpu.memory_space<semaphore_mem>>) attributes {dimension_semantics = [#tpu.dimension_semantics<core_parallel>, #tpu.dimension_semantics<subcore_parallel>], iteration_bounds = array<i64: 2, 16>, scalar_prefetch = 0 : i64, scratch_operands = 7 : i64, tpu.core_type = #tpu.core_type<sc_vector_subcore>, window_params = [{transform_indices = #map}, {transform_indices = #map}, {transform_indices = #map1}, {transform_indices = #map1}]} {
    %broadcast_in_dim3A = arith.constant 0.000000e+00 : f32
    %broadcast_in_dim3A_0 = vector.broadcast %broadcast_in_dim3A : f32 to vector<16xf32>
    %scan3A = arith.constant 0 : i32
    %scan3A_1 = arith.constant 128 : i32
    %scan3A_2 = arith.addi %scan3A, %scan3A_1 : i32
    %scan3A_3 = arith.constant 1 : i32
    scf.for %scan3A_23 = %scan3A to %scan3A_2 step %scan3A_3  : i32 {
      %mul3A_24 = arith.constant 1 : i32
      %mul3A_25 = arith.muli %scan3A_23, %mul3A_24 : i32
      %add3A_26 = arith.constant 0 : i32
      %add3A_27 = arith.addi %add3A_26, %mul3A_25 : i32
      %scan3A_28 = arith.constant 0 : i32
      %scan3A_29 = arith.constant 8 : i32
      %scan3A_30 = arith.addi %scan3A_28, %scan3A_29 : i32
      %scan3A_31 = arith.constant 1 : i32
      scf.for %scan3A_33 = %scan3A_28 to %scan3A_30 step %scan3A_31  : i32 {
        %mul3A_34 = arith.constant 1 : i32
        %mul3A_35 = arith.muli %scan3A_33, %mul3A_34 : i32
        %add3A_36 = arith.constant 0 : i32
        %add3A_37 = arith.addi %add3A_36, %mul3A_35 : i32
        %mul3A_38 = arith.constant 16 : i32
        %mul3A_39 = arith.muli %add3A_37, %mul3A_38 : i32
        %swap3A = arith.index_cast %add3A_27 : i32 to index
        %swap3A_40 = arith.index_cast %mul3A_39 : i32 to index
        %swap3A_41 = tpu.vector_load %arg8[%swap3A, %swap3A_40] {strides = array<i32>} : memref<128x128xf32, #tpu.memory_space<vmem>>, vector<1x16xf32>,
        %swap3A_42 = vector.shape_cast %swap3A_41 : vector<1x16xf32> to vector<16xf32>
        %swap3A_43 = vector.shape_cast %broadcast_in_dim3A_0 : vector<16xf32> to vector<1x16xf32>
        tpu.vector_store %arg8[%swap3A, %swap3A_40], %swap3A_43 {strides = array<i32>} : memref<128x128xf32, #tpu.memory_space<vmem>>, vector<1x16xf32>,
      }
      %scan3A_32 = arith.constant 8 : i32
    }
    %scan3A_4 = arith.constant 128 : i32
    %mul3A = arith.constant 632 : i32
    %mul3A_5 = arith.muli %arg1, %mul3A : i32
    %scan3A_6 = arith.constant 0 : i32
    %scan3A_7 = arith.constant 4 : i32
    %scan3A_8 = arith.addi %scan3A_6, %scan3A_7 : i32
    %scan3A_9 = arith.constant 1 : i32
    scf.for %scan3A_23 = %scan3A_6 to %scan3A_8 step %scan3A_9  : i32 {
      %mul3A_24 = arith.constant 1 : i32
      %mul3A_25 = arith.muli %scan3A_23, %mul3A_24 : i32
      %add3A_26 = arith.constant 0 : i32
      %add3A_27 = arith.addi %add3A_26, %mul3A_25 : i32
      %mul3A_28 = arith.constant 128 : i32
      %mul3A_29 = arith.muli %add3A_27, %mul3A_28 : i32
      %add3A_30 = arith.addi %mul3A_5, %mul3A_29 : i32
      "tpu.region"() ({
        %run_scoped3A = tpu.sem_alloc : memref<!tpu.dma_semaphore, #tpu.memory_space<semaphore_mem>>
        %dma_start3A = arith.constant 0 : i32
        %dma_start3A_31 = tpu.memref_slice %arg10[%add3A_30, %dma_start3A] : memref<10112x128xf32, #tpu.memory_space<vmem_shared>> -> memref<128x128xf32, #tpu.memory_space<vmem_shared>>
        %dma_start3A_32 = arith.constant 0 : i32
        %dma_start3A_33 = tpu.memref_slice %arg10[%add3A_30, %dma_start3A_32] : memref<10112x128xf32, #tpu.memory_space<vmem_shared>> -> memref<128x128xf32, #tpu.memory_space<vmem_shared>>
        tpu.enqueue_dma source(%arg8 : memref<128x128xf32, #tpu.memory_space<vmem>>) target(%dma_start3A_33 : memref<128x128xf32, #tpu.memory_space<vmem_shared>>) target_semaphore(%run_scoped3A : memref<!tpu.dma_semaphore, #tpu.memory_space<semaphore_mem>>)
        %dma_wait3A = arith.constant 0 : i32
        %dma_wait3A_34 = tpu.memref_slice %arg10[%add3A_30, %dma_wait3A] : memref<10112x128xf32, #tpu.memory_space<vmem_shared>> -> memref<128x128xf32, #tpu.memory_space<vmem_shared>>
        %dma_wait3A_35 = arith.constant 0 : i32
        %dma_wait3A_36 = tpu.memref_slice %arg10[%add3A_30, %dma_wait3A_35] : memref<10112x128xf32, #tpu.memory_space<vmem_shared>> -> memref<128x128xf32, #tpu.memory_space<vmem_shared>>
        tpu.wait_dma2 semaphore(%run_scoped3A : memref<!tpu.dma_semaphore, #tpu.memory_space<semaphore_mem>>) src(%arg8 : memref<128x128xf32, #tpu.memory_space<vmem>>) dst(%dma_wait3A_36 : memref<128x128xf32, #tpu.memory_space<vmem_shared>>)
        tpu.yield
      }) : () -> ()
    }
    %scan3A_10 = arith.constant 4 : i32
    %add3A = arith.constant 512 : i32
    %add3A_11 = arith.addi %mul3A_5, %add3A : i32
    "tpu.region"() ({
      %run_scoped3A = tpu.sem_alloc : memref<!tpu.dma_semaphore, #tpu.memory_space<semaphore_mem>>
      %dma_start3A = arith.constant 0 : i32
      %dma_start3A_23 = arith.constant 0 : i32
      %dma_start3A_24 = tpu.memref_slice %arg8[%dma_start3A, %dma_start3A_23] : memref<128x128xf32, #tpu.memory_space<vmem>> -> memref<120x128xf32, #tpu.memory_space<vmem>>
      %dma_start3A_25 = arith.constant 0 : i32
      %dma_start3A_26 = tpu.memref_slice %arg10[%add3A_11, %dma_start3A_25] : memref<10112x128xf32, #tpu.memory_space<vmem_shared>> -> memref<120x128xf32, #tpu.memory_space<vmem_shared>>
      %dma_start3A_27 = arith.constant 0 : i32
      %dma_start3A_28 = tpu.memref_slice %arg10[%add3A_11, %dma_start3A_27] : memref<10112x128xf32, #tpu.memory_space<vmem_shared>> -> memref<120x128xf32, #tpu.memory_space<vmem_shared>>
      %dma_start3A_29 = arith.constant 0 : i32
      %dma_start3A_30 = arith.constant 0 : i32
      %dma_start3A_31 = tpu.memref_slice %arg8[%dma_start3A_29, %dma_start3A_30] : memref<128x128xf32, #tpu.memory_space<vmem>> -> memref<120x128xf32, #tpu.memory_space<vmem>>
      tpu.enqueue_dma source(%dma_start3A_31 : memref<120x128xf32, #tpu.memory_space<vmem>>) target(%dma_start3A_28 : memref<120x128xf32, #tpu.memory_space<vmem_shared>>) target_semaphore(%run_scoped3A : memref<!tpu.dma_semaphore, #tpu.memory_space<semaphore_mem>>)
      %dma_wait3A = arith.constant 0 : i32
      %dma_wait3A_32 = arith.constant 0 : i32
      %dma_wait3A_33 = tpu.memref_slice %arg8[%dma_wait3A, %dma_wait3A_32] : memref<128x128xf32, #tpu.memory_space<vmem>> -> memref<120x128xf32, #tpu.memory_space<vmem>>
      %dma_wait3A_34 = arith.constant 0 : i32
      %dma_wait3A_35 = tpu.memref_slice %arg10[%add3A_11, %dma_wait3A_34] : memref<10112x128xf32, #tpu.memory_space<vmem_shared>> -> memref<120x128xf32, #tpu.memory_space<vmem_shared>>
      %dma_wait3A_36 = arith.constant 0 : i32
      %dma_wait3A_37 = tpu.memref_slice %arg10[%add3A_11, %dma_wait3A_36] : memref<10112x128xf32, #tpu.memory_space<vmem_shared>> -> memref<120x128xf32, #tpu.memory_space<vmem_shared>>
      %dma_wait3A_38 = arith.constant 0 : i32
      %dma_wait3A_39 = arith.constant 0 : i32
      %dma_wait3A_40 = tpu.memref_slice %arg8[%dma_wait3A_38, %dma_wait3A_39] : memref<128x128xf32, #tpu.memory_space<vmem>> -> memref<120x128xf32, #tpu.memory_space<vmem>>
      tpu.wait_dma2 semaphore(%run_scoped3A : memref<!tpu.dma_semaphore, #tpu.memory_space<semaphore_mem>>) src(%dma_wait3A_40 : memref<120x128xf32, #tpu.memory_space<vmem>>) dst(%dma_wait3A_37 : memref<120x128xf32, #tpu.memory_space<vmem_shared>>)
      tpu.yield
    }) : () -> ()
    %mul3A_12 = arith.constant 10000 : i32
    %mul3A_13 = arith.muli %arg0, %mul3A_12 : i32
    %barrier3A = arith.constant 0 : index
    tpu.barrier barrier_id(%barrier3A)
    %scan3A_14 = arith.constant 0 : i32
    %scan3A_15 = arith.constant 5 : i32
    %scan3A_16 = arith.addi %scan3A_14, %scan3A_15 : i32
    %scan3A_17 = arith.constant 1 : i32
    scf.for %scan3A_23 = %scan3A_14 to %scan3A_16 step %scan3A_17  : i32 {
      %mul3A_24 = arith.constant 1 : i32
      %mul3A_25 = arith.muli %scan3A_23, %mul3A_24 : i32
      %add3A_26 = arith.constant 0 : i32
      %add3A_27 = arith.addi %add3A_26, %mul3A_25 : i32
      %mul3A_28 = arith.constant 16 : i32
      %mul3A_29 = arith.muli %add3A_27, %mul3A_28 : i32
      "tpu.region"() ({
        %run_scoped3A_69 = tpu.sem_alloc : memref<!tpu.dma_semaphore, #tpu.memory_space<semaphore_mem>>
        %dma_start3A_70 = arith.constant 0 : i32
        %dma_start3A_71 = tpu.memref_slice %arg2[%arg1, %mul3A_29, %dma_start3A_70] : memref<16x80x128xi32, #tpu.memory_space<hbm>> -> memref<1x16x128xi32, #tpu.memory_space<hbm>>
        %dma_start3A_72 = tpu.memref_squeeze %dma_start3A_71 : memref<1x16x128xi32, #tpu.memory_space<hbm>> -> memref<16x128xi32, #tpu.memory_space<hbm>>
        %dma_start3A_73 = arith.constant 0 : i32
        %dma_start3A_74 = tpu.memref_slice %arg2[%arg1, %mul3A_29, %dma_start3A_73] : memref<16x80x128xi32, #tpu.memory_space<hbm>> -> memref<1x16x128xi32, #tpu.memory_space<hbm>>
        %dma_start3A_75 = tpu.memref_squeeze %dma_start3A_74 : memref<1x16x128xi32, #tpu.memory_space<hbm>> -> memref<16x128xi32, #tpu.memory_space<hbm>>
        tpu.enqueue_dma source(%dma_start3A_75 : memref<16x128xi32, #tpu.memory_space<hbm>>) target(%arg6 : memref<16x128xi32, #tpu.memory_space<vmem>>) target_semaphore(%run_scoped3A_69 : memref<!tpu.dma_semaphore, #tpu.memory_space<semaphore_mem>>)
        %dma_wait3A_76 = arith.constant 0 : i32
        %dma_wait3A_77 = tpu.memref_slice %arg2[%arg1, %mul3A_29, %dma_wait3A_76] : memref<16x80x128xi32, #tpu.memory_space<hbm>> -> memref<1x16x128xi32, #tpu.memory_space<hbm>>
        %dma_wait3A_78 = tpu.memref_squeeze %dma_wait3A_77 : memref<1x16x128xi32, #tpu.memory_space<hbm>> -> memref<16x128xi32, #tpu.memory_space<hbm>>
        %dma_wait3A_79 = arith.constant 0 : i32
        %dma_wait3A_80 = tpu.memref_slice %arg2[%arg1, %mul3A_29, %dma_wait3A_79] : memref<16x80x128xi32, #tpu.memory_space<hbm>> -> memref<1x16x128xi32, #tpu.memory_space<hbm>>
        %dma_wait3A_81 = tpu.memref_squeeze %dma_wait3A_80 : memref<1x16x128xi32, #tpu.memory_space<hbm>> -> memref<16x128xi32, #tpu.memory_space<hbm>>
        tpu.wait_dma2 semaphore(%run_scoped3A_69 : memref<!tpu.dma_semaphore, #tpu.memory_space<semaphore_mem>>) src(%dma_wait3A_81 : memref<16x128xi32, #tpu.memory_space<hbm>>) dst(%arg6 : memref<16x128xi32, #tpu.memory_space<vmem>>)
        tpu.yield
      }) : () -> ()
      %mul3A_30 = arith.constant 16 : i32
      %mul3A_31 = arith.muli %add3A_27, %mul3A_30 : i32
      "tpu.region"() ({
        %run_scoped3A_69 = tpu.sem_alloc : memref<!tpu.dma_semaphore, #tpu.memory_space<semaphore_mem>>
        %dma_start3A_70 = arith.constant 0 : i32
        %dma_start3A_71 = tpu.memref_slice %arg3[%arg1, %mul3A_31, %dma_start3A_70] : memref<16x80x128xi32, #tpu.memory_space<hbm>> -> memref<1x16x128xi32, #tpu.memory_space<hbm>>
        %dma_start3A_72 = tpu.memref_squeeze %dma_start3A_71 : memref<1x16x128xi32, #tpu.memory_space<hbm>> -> memref<16x128xi32, #tpu.memory_space<hbm>>
        %dma_start3A_73 = arith.constant 0 : i32
        %dma_start3A_74 = tpu.memref_slice %arg3[%arg1, %mul3A_31, %dma_start3A_73] : memref<16x80x128xi32, #tpu.memory_space<hbm>> -> memref<1x16x128xi32, #tpu.memory_space<hbm>>
        %dma_start3A_75 = tpu.memref_squeeze %dma_start3A_74 : memref<1x16x128xi32, #tpu.memory_space<hbm>> -> memref<16x128xi32, #tpu.memory_space<hbm>>
        tpu.enqueue_dma source(%dma_start3A_75 : memref<16x128xi32, #tpu.memory_space<hbm>>) target(%arg7 : memref<16x128xi32, #tpu.memory_space<vmem>>) target_semaphore(%run_scoped3A_69 : memref<!tpu.dma_semaphore, #tpu.memory_space<semaphore_mem>>)
        %dma_wait3A_76 = arith.constant 0 : i32
        %dma_wait3A_77 = tpu.memref_slice %arg3[%arg1, %mul3A_31, %dma_wait3A_76] : memref<16x80x128xi32, #tpu.memory_space<hbm>> -> memref<1x16x128xi32, #tpu.memory_space<hbm>>
        %dma_wait3A_78 = tpu.memref_squeeze %dma_wait3A_77 : memref<1x16x128xi32, #tpu.memory_space<hbm>> -> memref<16x128xi32, #tpu.memory_space<hbm>>
        %dma_wait3A_79 = arith.constant 0 : i32
        %dma_wait3A_80 = tpu.memref_slice %arg3[%arg1, %mul3A_31, %dma_wait3A_79] : memref<16x80x128xi32, #tpu.memory_space<hbm>> -> memref<1x16x128xi32, #tpu.memory_space<hbm>>
        %dma_wait3A_81 = tpu.memref_squeeze %dma_wait3A_80 : memref<1x16x128xi32, #tpu.memory_space<hbm>> -> memref<16x128xi32, #tpu.memory_space<hbm>>
        tpu.wait_dma2 semaphore(%run_scoped3A_69 : memref<!tpu.dma_semaphore, #tpu.memory_space<semaphore_mem>>) src(%dma_wait3A_81 : memref<16x128xi32, #tpu.memory_space<hbm>>) dst(%arg7 : memref<16x128xi32, #tpu.memory_space<vmem>>)
        tpu.yield
      }) : () -> ()
      %scan3A_32 = arith.constant 0 : i32
      %scan3A_33 = arith.constant 16 : i32
      %scan3A_34 = arith.addi %scan3A_32, %scan3A_33 : i32
      %scan3A_35 = arith.constant 1 : i32
      scf.for %scan3A_69 = %scan3A_32 to %scan3A_34 step %scan3A_35  : i32 {
        %mul3A_70 = arith.constant 1 : i32
        %mul3A_71 = arith.muli %scan3A_69, %mul3A_70 : i32
        %add3A_72 = arith.constant 0 : i32
        %add3A_73 = arith.addi %add3A_72, %mul3A_71 : i32
        %scan3A_74 = arith.constant 0 : i32
        %scan3A_75 = arith.constant 8 : i32
        %scan3A_76 = arith.addi %scan3A_74, %scan3A_75 : i32
        %scan3A_77 = arith.constant 1 : i32
        scf.for %scan3A_79 = %scan3A_74 to %scan3A_76 step %scan3A_77  : i32 {
          %mul3A_80 = arith.constant 1 : i32
          %mul3A_81 = arith.muli %scan3A_79, %mul3A_80 : i32
          %add3A_82 = arith.constant 0 : i32
          %add3A_83 = arith.addi %add3A_82, %mul3A_81 : i32
          %mul3A_84 = arith.constant 16 : i32
          %mul3A_85 = arith.muli %add3A_83, %mul3A_84 : i32
          %get3A = arith.index_cast %add3A_73 : i32 to index
          %get3A_86 = arith.index_cast %mul3A_85 : i32 to index
          %get3A_87 = tpu.vector_load %arg6[%get3A, %get3A_86] {strides = array<i32>} : memref<16x128xi32, #tpu.memory_space<vmem>>, vector<1x16xi32>,
          %get3A_88 = vector.shape_cast %get3A_87 : vector<1x16xi32> to vector<16xi32>
          %add3A_89 = vector.broadcast %mul3A_13 : i32 to vector<16xi32>
          %add3A_90 = arith.addi %get3A_88, %add3A_89 : vector<16xi32>
          %mul3A_91 = arith.constant 16 : i32
          %mul3A_92 = arith.muli %add3A_83, %mul3A_91 : i32
          %swap3A = arith.index_cast %add3A_73 : i32 to index
          %swap3A_93 = arith.index_cast %mul3A_92 : i32 to index
          %swap3A_94 = tpu.vector_load %arg6[%swap3A, %swap3A_93] {strides = array<i32>} : memref<16x128xi32, #tpu.memory_space<vmem>>, vector<1x16xi32>,
          %swap3A_95 = vector.shape_cast %swap3A_94 : vector<1x16xi32> to vector<16xi32>
          %swap3A_96 = vector.shape_cast %add3A_90 : vector<16xi32> to vector<1x16xi32>
          tpu.vector_store %arg6[%swap3A, %swap3A_93], %swap3A_96 {strides = array<i32>} : memref<16x128xi32, #tpu.memory_space<vmem>>, vector<1x16xi32>,
        }
        %scan3A_78 = arith.constant 8 : i32
      }
      %scan3A_36 = arith.constant 16 : i32
      %dma_start3A = arith.constant 0 : i32
      %dma_start3A_37 = arith.constant 0 : i32
      %dma_start3A_38 = tpu.memref_slice %arg6[%dma_start3A, %dma_start3A_37] : memref<16x128xi32, #tpu.memory_space<vmem>> -> memref<1x128xi32, #tpu.memory_space<vmem>>
      %dma_start3A_39 = tpu.memref_squeeze %dma_start3A_38 : memref<1x128xi32, #tpu.memory_space<vmem>> -> memref<128xi32, #tpu.memory_space<vmem>>
      %dma_start3A_40 = arith.constant 0 : i32
      %dma_start3A_41 = arith.constant 0 : i32
      %dma_start3A_42 = tpu.memref_slice %arg4[%dma_start3A_40, %dma_start3A_41] : memref<20000x128xf32, #tpu.memory_space<hbm>> -> memref<20000x128xf32, #tpu.memory_space<hbm>>
      tpu.enqueue_indirect_dma source(%dma_start3A_42 : memref<20000x128xf32, #tpu.memory_space<hbm>>) target(%arg8 : memref<128x128xf32, #tpu.memory_space<vmem>>) offsets(%dma_start3A_39 : memref<128xi32, #tpu.memory_space<vmem>>) semaphore(%arg11 : memref<!tpu.dma_semaphore, #tpu.memory_space<semaphore_mem>>)
      %dma_wait3A = arith.constant 0 : i32
      %dma_wait3A_43 = arith.constant 0 : i32
      %dma_wait3A_44 = tpu.memref_slice %arg6[%dma_wait3A, %dma_wait3A_43] : memref<16x128xi32, #tpu.memory_space<vmem>> -> memref<1x128xi32, #tpu.memory_space<vmem>>
      %dma_wait3A_45 = tpu.memref_squeeze %dma_wait3A_44 : memref<1x128xi32, #tpu.memory_space<vmem>> -> memref<128xi32, #tpu.memory_space<vmem>>
      %dma_wait3A_46 = arith.constant 0 : i32
      %dma_wait3A_47 = arith.constant 0 : i32
      %dma_wait3A_48 = tpu.memref_slice %arg4[%dma_wait3A_46, %dma_wait3A_47] : memref<20000x128xf32, #tpu.memory_space<hbm>> -> memref<20000x128xf32, #tpu.memory_space<hbm>>
      tpu.wait_indirect_dma semaphore(%arg11 : memref<!tpu.dma_semaphore, #tpu.memory_space<semaphore_mem>>) src(%dma_wait3A_48 : memref<20000x128xf32, #tpu.memory_space<hbm>>) dst(%arg8 : memref<128x128xf32, #tpu.memory_space<vmem>>)
      %scan3A_49 = arith.constant 0 : i32
      %scan3A_50 = arith.constant 7 : i32
      %scan3A_51 = arith.addi %scan3A_49, %scan3A_50 : i32
      %scan3A_52 = arith.constant 1 : i32
      scf.for %scan3A_69 = %scan3A_49 to %scan3A_51 step %scan3A_52  : i32 {
        %mul3A_70 = arith.constant 1 : i32
        %mul3A_71 = arith.muli %scan3A_69, %mul3A_70 : i32
        %add3A_72 = arith.constant 0 : i32
        %add3A_73 = arith.addi %add3A_72, %mul3A_71 : i32
        %mul3A_74 = arith.constant 2 : i32
        %mul3A_75 = arith.muli %add3A_73, %mul3A_74 : i32
        %add3A_76 = arith.constant 1 : i32
        %add3A_77 = arith.addi %mul3A_75, %add3A_76 : i32
        %dma_start3A_78 = arith.constant 0 : i32
        %dma_start3A_79 = tpu.memref_slice %arg6[%add3A_77, %dma_start3A_78] : memref<16x128xi32, #tpu.memory_space<vmem>> -> memref<1x128xi32, #tpu.memory_space<vmem>>
        %dma_start3A_80 = tpu.memref_squeeze %dma_start3A_79 : memref<1x128xi32, #tpu.memory_space<vmem>> -> memref<128xi32, #tpu.memory_space<vmem>>
        %dma_start3A_81 = arith.constant 0 : i32
        %dma_start3A_82 = arith.constant 0 : i32
        %dma_start3A_83 = tpu.memref_slice %arg4[%dma_start3A_81, %dma_start3A_82] : memref<20000x128xf32, #tpu.memory_space<hbm>> -> memref<20000x128xf32, #tpu.memory_space<hbm>>
        tpu.enqueue_indirect_dma source(%dma_start3A_83 : memref<20000x128xf32, #tpu.memory_space<hbm>>) target(%arg9 : memref<128x128xf32, #tpu.memory_space<vmem>>) offsets(%dma_start3A_80 : memref<128xi32, #tpu.memory_space<vmem>>) semaphore(%arg12 : memref<!tpu.dma_semaphore, #tpu.memory_space<semaphore_mem>>)
        "tpu.region"() ({
          %run_scoped3A_106 = tpu.sem_alloc : memref<!tpu.dma_semaphore, #tpu.memory_space<semaphore_mem>>
          %dma_start3A_107 = arith.constant 0 : i32
          %dma_start3A_108 = tpu.memref_slice %arg7[%mul3A_75, %dma_start3A_107] : memref<16x128xi32, #tpu.memory_space<vmem>> -> memref<1x128xi32, #tpu.memory_space<vmem>>
          %dma_start3A_109 = tpu.memref_squeeze %dma_start3A_108 : memref<1x128xi32, #tpu.memory_space<vmem>> -> memref<128xi32, #tpu.memory_space<vmem>>
          %dma_start3A_110 = arith.constant 0 : i32
          %dma_start3A_111 = arith.constant 0 : i32
          %dma_start3A_112 = tpu.memref_slice %arg10[%dma_start3A_110, %dma_start3A_111] : memref<10112x128xf32, #tpu.memory_space<vmem_shared>> -> memref<10112x128xf32, #tpu.memory_space<vmem_shared>>
          tpu.enqueue_indirect_dma source(%arg8 : memref<128x128xf32, #tpu.memory_space<vmem>>) target(%dma_start3A_112 : memref<10112x128xf32, #tpu.memory_space<vmem_shared>>) offsets(%dma_start3A_109 : memref<128xi32, #tpu.memory_space<vmem>>) semaphore(%run_scoped3A_106 : memref<!tpu.dma_semaphore, #tpu.memory_space<semaphore_mem>>) {add = true}
          %dma_wait3A_113 = arith.constant 0 : i32
          %dma_wait3A_114 = tpu.memref_slice %arg7[%mul3A_75, %dma_wait3A_113] : memref<16x128xi32, #tpu.memory_space<vmem>> -> memref<1x128xi32, #tpu.memory_space<vmem>>
          %dma_wait3A_115 = tpu.memref_squeeze %dma_wait3A_114 : memref<1x128xi32, #tpu.memory_space<vmem>> -> memref<128xi32, #tpu.memory_space<vmem>>
          %dma_wait3A_116 = arith.constant 0 : i32
          %dma_wait3A_117 = arith.constant 0 : i32
          %dma_wait3A_118 = tpu.memref_slice %arg10[%dma_wait3A_116, %dma_wait3A_117] : memref<10112x128xf32, #tpu.memory_space<vmem_shared>> -> memref<10112x128xf32, #tpu.memory_space<vmem_shared>>
          tpu.wait_indirect_dma semaphore(%run_scoped3A_106 : memref<!tpu.dma_semaphore, #tpu.memory_space<semaphore_mem>>) src(%arg8 : memref<128x128xf32, #tpu.memory_space<vmem>>) dst(%dma_wait3A_118 : memref<10112x128xf32, #tpu.memory_space<vmem_shared>>)
          tpu.yield
        }) : () -> ()
        %dma_wait3A_84 = arith.constant 0 : i32
        %dma_wait3A_85 = tpu.memref_slice %arg6[%add3A_77, %dma_wait3A_84] : memref<16x128xi32, #tpu.memory_space<vmem>> -> memref<1x128xi32, #tpu.memory_space<vmem>>
        %dma_wait3A_86 = tpu.memref_squeeze %dma_wait3A_85 : memref<1x128xi32, #tpu.memory_space<vmem>> -> memref<128xi32, #tpu.memory_space<vmem>>
        %dma_wait3A_87 = arith.constant 0 : i32
        %dma_wait3A_88 = arith.constant 0 : i32
        %dma_wait3A_89 = tpu.memref_slice %arg4[%dma_wait3A_87, %dma_wait3A_88] : memref<20000x128xf32, #tpu.memory_space<hbm>> -> memref<20000x128xf32, #tpu.memory_space<hbm>>
        tpu.wait_indirect_dma semaphore(%arg12 : memref<!tpu.dma_semaphore, #tpu.memory_space<semaphore_mem>>) src(%dma_wait3A_89 : memref<20000x128xf32, #tpu.memory_space<hbm>>) dst(%arg9 : memref<128x128xf32, #tpu.memory_space<vmem>>)
        %add3A_90 = arith.constant 2 : i32
        %add3A_91 = arith.addi %mul3A_75, %add3A_90 : i32
        %dma_start3A_92 = arith.constant 0 : i32
        %dma_start3A_93 = tpu.memref_slice %arg6[%add3A_91, %dma_start3A_92] : memref<16x128xi32, #tpu.memory_space<vmem>> -> memref<1x128xi32, #tpu.memory_space<vmem>>
        %dma_start3A_94 = tpu.memref_squeeze %dma_start3A_93 : memref<1x128xi32, #tpu.memory_space<vmem>> -> memref<128xi32, #tpu.memory_space<vmem>>
        %dma_start3A_95 = arith.constant 0 : i32
        %dma_start3A_96 = arith.constant 0 : i32
        %dma_start3A_97 = tpu.memref_slice %arg4[%dma_start3A_95, %dma_start3A_96] : memref<20000x128xf32, #tpu.memory_space<hbm>> -> memref<20000x128xf32, #tpu.memory_space<hbm>>
        tpu.enqueue_indirect_dma source(%dma_start3A_97 : memref<20000x128xf32, #tpu.memory_space<hbm>>) target(%arg8 : memref<128x128xf32, #tpu.memory_space<vmem>>) offsets(%dma_start3A_94 : memref<128xi32, #tpu.memory_space<vmem>>) semaphore(%arg11 : memref<!tpu.dma_semaphore, #tpu.memory_space<semaphore_mem>>)
        %add3A_98 = arith.constant 1 : i32
        %add3A_99 = arith.addi %mul3A_75, %add3A_98 : i32
        "tpu.region"() ({
          %run_scoped3A_106 = tpu.sem_alloc : memref<!tpu.dma_semaphore, #tpu.memory_space<semaphore_mem>>
          %dma_start3A_107 = arith.constant 0 : i32
          %dma_start3A_108 = tpu.memref_slice %arg7[%add3A_99, %dma_start3A_107] : memref<16x128xi32, #tpu.memory_space<vmem>> -> memref<1x128xi32, #tpu.memory_space<vmem>>
          %dma_start3A_109 = tpu.memref_squeeze %dma_start3A_108 : memref<1x128xi32, #tpu.memory_space<vmem>> -> memref<128xi32, #tpu.memory_space<vmem>>
          %dma_start3A_110 = arith.constant 0 : i32
          %dma_start3A_111 = arith.constant 0 : i32
          %dma_start3A_112 = tpu.memref_slice %arg10[%dma_start3A_110, %dma_start3A_111] : memref<10112x128xf32, #tpu.memory_space<vmem_shared>> -> memref<10112x128xf32, #tpu.memory_space<vmem_shared>>
          tpu.enqueue_indirect_dma source(%arg9 : memref<128x128xf32, #tpu.memory_space<vmem>>) target(%dma_start3A_112 : memref<10112x128xf32, #tpu.memory_space<vmem_shared>>) offsets(%dma_start3A_109 : memref<128xi32, #tpu.memory_space<vmem>>) semaphore(%run_scoped3A_106 : memref<!tpu.dma_semaphore, #tpu.memory_space<semaphore_mem>>) {add = true}
          %dma_wait3A_113 = arith.constant 0 : i32
          %dma_wait3A_114 = tpu.memref_slice %arg7[%add3A_99, %dma_wait3A_113] : memref<16x128xi32, #tpu.memory_space<vmem>> -> memref<1x128xi32, #tpu.memory_space<vmem>>
          %dma_wait3A_115 = tpu.memref_squeeze %dma_wait3A_114 : memref<1x128xi32, #tpu.memory_space<vmem>> -> memref<128xi32, #tpu.memory_space<vmem>>
          %dma_wait3A_116 = arith.constant 0 : i32
          %dma_wait3A_117 = arith.constant 0 : i32
          %dma_wait3A_118 = tpu.memref_slice %arg10[%dma_wait3A_116, %dma_wait3A_117] : memref<10112x128xf32, #tpu.memory_space<vmem_shared>> -> memref<10112x128xf32, #tpu.memory_space<vmem_shared>>
          tpu.wait_indirect_dma semaphore(%run_scoped3A_106 : memref<!tpu.dma_semaphore, #tpu.memory_space<semaphore_mem>>) src(%arg9 : memref<128x128xf32, #tpu.memory_space<vmem>>) dst(%dma_wait3A_118 : memref<10112x128xf32, #tpu.memory_space<vmem_shared>>)
          tpu.yield
        }) : () -> ()
        %dma_wait3A_100 = arith.constant 0 : i32
        %dma_wait3A_101 = tpu.memref_slice %arg6[%add3A_91, %dma_wait3A_100] : memref<16x128xi32, #tpu.memory_space<vmem>> -> memref<1x128xi32, #tpu.memory_space<vmem>>
        %dma_wait3A_102 = tpu.memref_squeeze %dma_wait3A_101 : memref<1x128xi32, #tpu.memory_space<vmem>> -> memref<128xi32, #tpu.memory_space<vmem>>
        %dma_wait3A_103 = arith.constant 0 : i32
        %dma_wait3A_104 = arith.constant 0 : i32
        %dma_wait3A_105 = tpu.memref_slice %arg4[%dma_wait3A_103, %dma_wait3A_104] : memref<20000x128xf32, #tpu.memory_space<hbm>> -> memref<20000x128xf32, #tpu.memory_space<hbm>>
        tpu.wait_indirect_dma semaphore(%arg11 : memref<!tpu.dma_semaphore, #tpu.memory_space<semaphore_mem>>) src(%dma_wait3A_105 : memref<20000x128xf32, #tpu.memory_space<hbm>>) dst(%arg8 : memref<128x128xf32, #tpu.memory_space<vmem>>)
      }
      %scan3A_53 = arith.constant 7 : i32
      %dma_start3A_54 = arith.constant 15 : i32
      %dma_start3A_55 = arith.constant 0 : i32
      %dma_start3A_56 = tpu.memref_slice %arg6[%dma_start3A_54, %dma_start3A_55] : memref<16x128xi32, #tpu.memory_space<vmem>> -> memref<1x128xi32, #tpu.memory_space<vmem>>
      %dma_start3A_57 = tpu.memref_squeeze %dma_start3A_56 : memref<1x128xi32, #tpu.memory_space<vmem>> -> memref<128xi32, #tpu.memory_space<vmem>>
      %dma_start3A_58 = arith.constant 0 : i32
      %dma_start3A_59 = arith.constant 0 : i32
      %dma_start3A_60 = tpu.memref_slice %arg4[%dma_start3A_58, %dma_start3A_59] : memref<20000x128xf32, #tpu.memory_space<hbm>> -> memref<20000x128xf32, #tpu.memory_space<hbm>>
      tpu.enqueue_indirect_dma source(%dma_start3A_60 : memref<20000x128xf32, #tpu.memory_space<hbm>>) target(%arg9 : memref<128x128xf32, #tpu.memory_space<vmem>>) offsets(%dma_start3A_57 : memref<128xi32, #tpu.memory_space<vmem>>) semaphore(%arg12 : memref<!tpu.dma_semaphore, #tpu.memory_space<semaphore_mem>>)
      %run_scoped3A = arith.constant 14 : i32
      "tpu.region"() ({
        %run_scoped3A_69 = tpu.sem_alloc : memref<!tpu.dma_semaphore, #tpu.memory_space<semaphore_mem>>
        %dma_start3A_70 = arith.constant 0 : i32
        %dma_start3A_71 = tpu.memref_slice %arg7[%run_scoped3A, %dma_start3A_70] : memref<16x128xi32, #tpu.memory_space<vmem>> -> memref<1x128xi32, #tpu.memory_space<vmem>>
        %dma_start3A_72 = tpu.memref_squeeze %dma_start3A_71 : memref<1x128xi32, #tpu.memory_space<vmem>> -> memref<128xi32, #tpu.memory_space<vmem>>
        %dma_start3A_73 = arith.constant 0 : i32
        %dma_start3A_74 = arith.constant 0 : i32
        %dma_start3A_75 = tpu.memref_slice %arg10[%dma_start3A_73, %dma_start3A_74] : memref<10112x128xf32, #tpu.memory_space<vmem_shared>> -> memref<10112x128xf32, #tpu.memory_space<vmem_shared>>
        tpu.enqueue_indirect_dma source(%arg8 : memref<128x128xf32, #tpu.memory_space<vmem>>) target(%dma_start3A_75 : memref<10112x128xf32, #tpu.memory_space<vmem_shared>>) offsets(%dma_start3A_72 : memref<128xi32, #tpu.memory_space<vmem>>) semaphore(%run_scoped3A_69 : memref<!tpu.dma_semaphore, #tpu.memory_space<semaphore_mem>>) {add = true}
        %dma_wait3A_76 = arith.constant 0 : i32
        %dma_wait3A_77 = tpu.memref_slice %arg7[%run_scoped3A, %dma_wait3A_76] : memref<16x128xi32, #tpu.memory_space<vmem>> -> memref<1x128xi32, #tpu.memory_space<vmem>>
        %dma_wait3A_78 = tpu.memref_squeeze %dma_wait3A_77 : memref<1x128xi32, #tpu.memory_space<vmem>> -> memref<128xi32, #tpu.memory_space<vmem>>
        %dma_wait3A_79 = arith.constant 0 : i32
        %dma_wait3A_80 = arith.constant 0 : i32
        %dma_wait3A_81 = tpu.memref_slice %arg10[%dma_wait3A_79, %dma_wait3A_80] : memref<10112x128xf32, #tpu.memory_space<vmem_shared>> -> memref<10112x128xf32, #tpu.memory_space<vmem_shared>>
        tpu.wait_indirect_dma semaphore(%run_scoped3A_69 : memref<!tpu.dma_semaphore, #tpu.memory_space<semaphore_mem>>) src(%arg8 : memref<128x128xf32, #tpu.memory_space<vmem>>) dst(%dma_wait3A_81 : memref<10112x128xf32, #tpu.memory_space<vmem_shared>>)
        tpu.yield
      }) : () -> ()
      %dma_wait3A_61 = arith.constant 15 : i32
      %dma_wait3A_62 = arith.constant 0 : i32
      %dma_wait3A_63 = tpu.memref_slice %arg6[%dma_wait3A_61, %dma_wait3A_62] : memref<16x128xi32, #tpu.memory_space<vmem>> -> memref<1x128xi32, #tpu.memory_space<vmem>>
      %dma_wait3A_64 = tpu.memref_squeeze %dma_wait3A_63 : memref<1x128xi32, #tpu.memory_space<vmem>> -> memref<128xi32, #tpu.memory_space<vmem>>
      %dma_wait3A_65 = arith.constant 0 : i32
      %dma_wait3A_66 = arith.constant 0 : i32
      %dma_wait3A_67 = tpu.memref_slice %arg4[%dma_wait3A_65, %dma_wait3A_66] : memref<20000x128xf32, #tpu.memory_space<hbm>> -> memref<20000x128xf32, #tpu.memory_space<hbm>>
      tpu.wait_indirect_dma semaphore(%arg12 : memref<!tpu.dma_semaphore, #tpu.memory_space<semaphore_mem>>) src(%dma_wait3A_67 : memref<20000x128xf32, #tpu.memory_space<hbm>>) dst(%arg9 : memref<128x128xf32, #tpu.memory_space<vmem>>)
      %run_scoped3A_68 = arith.constant 15 : i32
      "tpu.region"() ({
        %run_scoped3A_69 = tpu.sem_alloc : memref<!tpu.dma_semaphore, #tpu.memory_space<semaphore_mem>>
        %dma_start3A_70 = arith.constant 0 : i32
        %dma_start3A_71 = tpu.memref_slice %arg7[%run_scoped3A_68, %dma_start3A_70] : memref<16x128xi32, #tpu.memory_space<vmem>> -> memref<1x128xi32, #tpu.memory_space<vmem>>
        %dma_start3A_72 = tpu.memref_squeeze %dma_start3A_71 : memref<1x128xi32, #tpu.memory_space<vmem>> -> memref<128xi32, #tpu.memory_space<vmem>>
        %dma_start3A_73 = arith.constant 0 : i32
        %dma_start3A_74 = arith.constant 0 : i32
        %dma_start3A_75 = tpu.memref_slice %arg10[%dma_start3A_73, %dma_start3A_74] : memref<10112x128xf32, #tpu.memory_space<vmem_shared>> -> memref<10112x128xf32, #tpu.memory_space<vmem_shared>>
        tpu.enqueue_indirect_dma source(%arg9 : memref<128x128xf32, #tpu.memory_space<vmem>>) target(%dma_start3A_75 : memref<10112x128xf32, #tpu.memory_space<vmem_shared>>) offsets(%dma_start3A_72 : memref<128xi32, #tpu.memory_space<vmem>>) semaphore(%run_scoped3A_69 : memref<!tpu.dma_semaphore, #tpu.memory_space<semaphore_mem>>) {add = true}
        %dma_wait3A_76 = arith.constant 0 : i32
        %dma_wait3A_77 = tpu.memref_slice %arg7[%run_scoped3A_68, %dma_wait3A_76] : memref<16x128xi32, #tpu.memory_space<vmem>> -> memref<1x128xi32, #tpu.memory_space<vmem>>
        %dma_wait3A_78 = tpu.memref_squeeze %dma_wait3A_77 : memref<1x128xi32, #tpu.memory_space<vmem>> -> memref<128xi32, #tpu.memory_space<vmem>>
        %dma_wait3A_79 = arith.constant 0 : i32
        %dma_wait3A_80 = arith.constant 0 : i32
        %dma_wait3A_81 = tpu.memref_slice %arg10[%dma_wait3A_79, %dma_wait3A_80] : memref<10112x128xf32, #tpu.memory_space<vmem_shared>> -> memref<10112x128xf32, #tpu.memory_space<vmem_shared>>
        tpu.wait_indirect_dma semaphore(%run_scoped3A_69 : memref<!tpu.dma_semaphore, #tpu.memory_space<semaphore_mem>>) src(%arg9 : memref<128x128xf32, #tpu.memory_space<vmem>>) dst(%dma_wait3A_81 : memref<10112x128xf32, #tpu.memory_space<vmem_shared>>)
        tpu.yield
      }) : () -> ()
    }
    %scan3A_18 = arith.constant 5 : i32
    %barrier3A_19 = arith.constant 0 : index
    tpu.barrier barrier_id(%barrier3A_19)
    %mul3A_20 = arith.constant 10112 : i32
    %mul3A_21 = arith.muli %arg0, %mul3A_20 : i32
    %add3A_22 = arith.addi %mul3A_21, %mul3A_5 : i32
    "tpu.region"() ({
      %run_scoped3A = tpu.sem_alloc : memref<!tpu.dma_semaphore, #tpu.memory_space<semaphore_mem>>
      %dma_start3A = arith.constant 0 : i32
      %dma_start3A_23 = tpu.memref_slice %arg5[%add3A_22, %dma_start3A] : memref<20224x128xf32, #tpu.memory_space<hbm>> -> memref<632x128xf32, #tpu.memory_space<hbm>>
      %dma_start3A_24 = arith.constant 0 : i32
      %dma_start3A_25 = tpu.memref_slice %arg10[%mul3A_5, %dma_start3A_24] : memref<10112x128xf32, #tpu.memory_space<vmem_shared>> -> memref<632x128xf32, #tpu.memory_space<vmem_shared>>
      tpu.enqueue_dma source(%dma_start3A_25 : memref<632x128xf32, #tpu.memory_space<vmem_shared>>) target(%dma_start3A_23 : memref<632x128xf32, #tpu.memory_space<hbm>>) target_semaphore(%run_scoped3A : memref<!tpu.dma_semaphore, #tpu.memory_space<semaphore_mem>>)
      %dma_wait3A = arith.constant 0 : i32
      %dma_wait3A_26 = tpu.memref_slice %arg5[%add3A_22, %dma_wait3A] : memref<20224x128xf32, #tpu.memory_space<hbm>> -> memref<632x128xf32, #tpu.memory_space<hbm>>
      %dma_wait3A_27 = arith.constant 0 : i32
      %dma_wait3A_28 = tpu.memref_slice %arg10[%mul3A_5, %dma_wait3A_27] : memref<10112x128xf32, #tpu.memory_space<vmem_shared>> -> memref<632x128xf32, #tpu.memory_space<vmem_shared>>
      tpu.wait_dma2 semaphore(%run_scoped3A : memref<!tpu.dma_semaphore, #tpu.memory_space<semaphore_mem>>) src(%dma_wait3A_28 : memref<632x128xf32, #tpu.memory_space<vmem_shared>>) dst(%dma_wait3A_26 : memref<632x128xf32, #tpu.memory_space<hbm>>)
      tpu.yield
    }) : () -> ()
    return
  }
}

module attributes {stable_mosaic.version = 14 : i64} {
  func.func @_mm_chain(%arg0: i32, %arg1: memref<2x400x128xf32, #tpu.memory_space<vmem>>, %arg2: memref<2x400x128xf32, #tpu.memory_space<vmem>>, %arg3: memref<2x400x128xf32, #tpu.memory_space<vmem>>, %arg4: memref<256x512xf32, #tpu.memory_space<vmem>>, %arg5: memref<1x512xf32, #tpu.memory_space<vmem>>, %arg6: memref<512x256xf32, #tpu.memory_space<vmem>>, %arg7: memref<400x512xf32, #tpu.memory_space<vmem>>, %arg8: memref<2x400x128xf32, #tpu.memory_space<vmem>>) attributes {dimension_semantics = [#tpu.dimension_semantics<arbitrary>], iteration_bounds = array<i64: 25>, scalar_prefetch = 0 : i64, scratch_operands = 0 : i64, tpu.core_type = #tpu.core_type<tc>, window_params = [{transform_indices = @transform_0, window_bounds = array<i64: 2, 400, 128>}, {transform_indices = @transform_1, window_bounds = array<i64: 2, 400, 128>}, {transform_indices = @transform_2, window_bounds = array<i64: 2, 400, 128>}, {pipeline_mode = #tpu.pipeline_mode<synchronous>, transform_indices = @transform_3, window_bounds = array<i64: 256, 512>}, {pipeline_mode = #tpu.pipeline_mode<synchronous>, transform_indices = @transform_4, window_bounds = array<i64: 1, 512>}, {pipeline_mode = #tpu.pipeline_mode<synchronous>, transform_indices = @transform_5, window_bounds = array<i64: 512, 256>}, {transform_indices = @transform_6, window_bounds = array<i64: 400, 512>}, {transform_indices = @transform_7, window_bounds = array<i64: 2, 400, 128>}]} {
    %get3A = arith.constant 0 : index
    %get3A_0 = arith.constant 0 : index
    %get3A_1 = arith.constant 0 : index
    %get3A_2 = vector.load %arg3[%get3A, %get3A_0, %get3A_1] : memref<2x400x128xf32, #tpu.memory_space<vmem>>, vector<1x400x128xf32>
    %get3A_3 = vector.shape_cast %get3A_2 : vector<1x400x128xf32> to vector<400x128xf32>
    %slice3A = vector.extract_strided_slice %get3A_3 {offsets = [0, 0], sizes = [400, 1], strides = [1, 1]} : vector<400x128xf32> to vector<400x1xf32>
    %get3A_4 = arith.constant 1 : index
    %get3A_5 = arith.constant 0 : index
    %get3A_6 = arith.constant 0 : index
    %get3A_7 = vector.load %arg3[%get3A_4, %get3A_5, %get3A_6] : memref<2x400x128xf32, #tpu.memory_space<vmem>>, vector<1x400x128xf32>
    %get3A_8 = vector.shape_cast %get3A_7 : vector<1x400x128xf32> to vector<400x128xf32>
    %slice3A_9 = vector.extract_strided_slice %get3A_8 {offsets = [0, 0], sizes = [400, 1], strides = [1, 1]} : vector<400x128xf32> to vector<400x1xf32>
    %add3A = arith.addf %slice3A, %slice3A_9 : vector<400x1xf32>
    %add3A_10 = arith.constant 1.000000e+00 : f32
    %add3A_11 = vector.broadcast %add3A_10 : f32 to vector<400x1xf32>
    %add3A_12 = arith.addf %add3A, %add3A_11 : vector<400x1xf32>
    %rsqrt3A = math.rsqrt %add3A_12 : vector<400x1xf32>
    %get3A_13 = arith.constant 0 : index
    %get3A_14 = arith.constant 0 : index
    %get3A_15 = arith.constant 0 : index
    %get3A_16 = vector.load %arg1[%get3A_13, %get3A_14, %get3A_15] : memref<2x400x128xf32, #tpu.memory_space<vmem>>, vector<1x400x128xf32>
    %get3A_17 = vector.shape_cast %get3A_16 : vector<1x400x128xf32> to vector<400x128xf32>
    %get3A_18 = arith.constant 0 : index
    %get3A_19 = arith.constant 0 : index
    %get3A_20 = arith.constant 0 : index
    %get3A_21 = vector.load %arg2[%get3A_18, %get3A_19, %get3A_20] : memref<2x400x128xf32, #tpu.memory_space<vmem>>, vector<1x400x128xf32>
    %get3A_22 = vector.shape_cast %get3A_21 : vector<1x400x128xf32> to vector<400x128xf32>
    %add3A_23 = arith.addf %get3A_17, %get3A_22 : vector<400x128xf32>
    %mul3A = vector.broadcast %rsqrt3A : vector<400x1xf32> to vector<400x128xf32>
    %mul3A_24 = arith.mulf %add3A_23, %mul3A : vector<400x128xf32>
    %get3A_25 = arith.constant 1 : index
    %get3A_26 = arith.constant 0 : index
    %get3A_27 = arith.constant 0 : index
    %get3A_28 = vector.load %arg1[%get3A_25, %get3A_26, %get3A_27] : memref<2x400x128xf32, #tpu.memory_space<vmem>>, vector<1x400x128xf32>
    %get3A_29 = vector.shape_cast %get3A_28 : vector<1x400x128xf32> to vector<400x128xf32>
    %get3A_30 = arith.constant 1 : index
    %get3A_31 = arith.constant 0 : index
    %get3A_32 = arith.constant 0 : index
    %get3A_33 = vector.load %arg2[%get3A_30, %get3A_31, %get3A_32] : memref<2x400x128xf32, #tpu.memory_space<vmem>>, vector<1x400x128xf32>
    %get3A_34 = vector.shape_cast %get3A_33 : vector<1x400x128xf32> to vector<400x128xf32>
    %add3A_35 = arith.addf %get3A_29, %get3A_34 : vector<400x128xf32>
    %mul3A_36 = vector.broadcast %rsqrt3A : vector<400x1xf32> to vector<400x128xf32>
    %mul3A_37 = arith.mulf %add3A_35, %mul3A_36 : vector<400x128xf32>
    %concatenate3A = tpu.concatenate %mul3A_24, %mul3A_37 in 1 : vector<400x128xf32>, vector<400x128xf32> -> vector<400x256xf32>
    %get3A_38 = arith.constant 0 : index
    %get3A_39 = arith.constant 0 : index
    %get3A_40 = vector.load %arg4[%get3A_38, %get3A_39] : memref<256x512xf32, #tpu.memory_space<vmem>>, vector<256x512xf32>
    %dot_general3A = arith.constant dense<0.000000e+00> : vector<400x512xf32>
    %dot_general3A_41 = tpu.matmul %concatenate3A, %get3A_40, %dot_general3A {dimension_numbers = #tpu.dot_dimension_numbers<[1], [0], [0], [1], [0, 0, 1, 1], [], []>, transpose_lhs_hint = false} : vector<400x256xf32>, vector<256x512xf32>, vector<400x512xf32> -> vector<400x512xf32>
    %get3A_42 = arith.constant 0 : index
    %get3A_43 = arith.constant 0 : index
    %get3A_44 = vector.load %arg5[%get3A_42, %get3A_43] : memref<1x512xf32, #tpu.memory_space<vmem>>, vector<1x512xf32>
    %add3A_45 = vector.broadcast %get3A_44 : vector<1x512xf32> to vector<400x512xf32>
    %add3A_46 = arith.addf %dot_general3A_41, %add3A_45 : vector<400x512xf32>
    %max3A = arith.constant 0.000000e+00 : f32
    %max3A_47 = vector.broadcast %max3A : f32 to vector<400x512xf32>
    %max3A_48 = arith.maximumf %add3A_46, %max3A_47 : vector<400x512xf32>
    %swap3A = arith.constant 0 : index
    %swap3A_49 = arith.constant 0 : index
    %swap3A_50 = vector.load %arg7[%swap3A, %swap3A_49] : memref<400x512xf32, #tpu.memory_space<vmem>>, vector<400x512xf32>
    tpu.vector_store %arg7[%swap3A, %swap3A_49], %max3A_48 {strides = array<i32>} : memref<400x512xf32, #tpu.memory_space<vmem>>, vector<400x512xf32>,
    %get3A_51 = arith.constant 0 : index
    %get3A_52 = arith.constant 0 : index
    %get3A_53 = vector.load %arg6[%get3A_51, %get3A_52] : memref<512x256xf32, #tpu.memory_space<vmem>>, vector<512x256xf32>
    %dot_general3A_54 = arith.constant dense<0.000000e+00> : vector<400x256xf32>
    %dot_general3A_55 = tpu.matmul %max3A_48, %get3A_53, %dot_general3A_54 {dimension_numbers = #tpu.dot_dimension_numbers<[1], [0], [0], [1], [0, 0, 1, 1], [], []>, transpose_lhs_hint = false} : vector<400x512xf32>, vector<512x256xf32>, vector<400x256xf32> -> vector<400x256xf32>
    %mul3A_56 = vector.broadcast %rsqrt3A : vector<400x1xf32> to vector<400x256xf32>
    %mul3A_57 = arith.mulf %dot_general3A_55, %mul3A_56 : vector<400x256xf32>
    %slice3A_58 = vector.extract_strided_slice %mul3A_57 {offsets = [0, 0], sizes = [400, 128], strides = [1, 1]} : vector<400x256xf32> to vector<400x128xf32>
    %swap3A_59 = arith.constant 0 : index
    %swap3A_60 = arith.constant 0 : index
    %swap3A_61 = arith.constant 0 : index
    %swap3A_62 = vector.load %arg8[%swap3A_59, %swap3A_60, %swap3A_61] : memref<2x400x128xf32, #tpu.memory_space<vmem>>, vector<1x400x128xf32>
    %swap3A_63 = vector.shape_cast %swap3A_62 : vector<1x400x128xf32> to vector<400x128xf32>
    %swap3A_64 = vector.shape_cast %slice3A_58 : vector<400x128xf32> to vector<1x400x128xf32>
    tpu.vector_store %arg8[%swap3A_59, %swap3A_60, %swap3A_61], %swap3A_64 {strides = array<i32>} : memref<2x400x128xf32, #tpu.memory_space<vmem>>, vector<1x400x128xf32>,
    %slice3A_65 = vector.extract_strided_slice %mul3A_57 {offsets = [0, 128], sizes = [400, 128], strides = [1, 1]} : vector<400x256xf32> to vector<400x128xf32>
    %swap3A_66 = arith.constant 1 : index
    %swap3A_67 = arith.constant 0 : index
    %swap3A_68 = arith.constant 0 : index
    %swap3A_69 = vector.load %arg8[%swap3A_66, %swap3A_67, %swap3A_68] : memref<2x400x128xf32, #tpu.memory_space<vmem>>, vector<1x400x128xf32>
    %swap3A_70 = vector.shape_cast %swap3A_69 : vector<1x400x128xf32> to vector<400x128xf32>
    %swap3A_71 = vector.shape_cast %slice3A_65 : vector<400x128xf32> to vector<1x400x128xf32>
    tpu.vector_store %arg8[%swap3A_66, %swap3A_67, %swap3A_68], %swap3A_71 {strides = array<i32>} : memref<2x400x128xf32, #tpu.memory_space<vmem>>, vector<1x400x128xf32>,
    return
  }
  func.func @transform_0(%arg0: i32) -> (i32, i32, i32) {
    %c0_i32 = arith.constant 0 : i32
    %c0_i32_0 = arith.constant 0 : i32
    %c0_i32_1 = arith.constant 0 : i32
    return %c0_i32, %arg0, %c0_i32_0 : i32, i32, i32
  }
  func.func @transform_1(%arg0: i32) -> (i32, i32, i32) {
    %c0_i32 = arith.constant 0 : i32
    %c0_i32_0 = arith.constant 0 : i32
    %c0_i32_1 = arith.constant 0 : i32
    return %c0_i32, %arg0, %c0_i32_0 : i32, i32, i32
  }
  func.func @transform_2(%arg0: i32) -> (i32, i32, i32) {
    %c0_i32 = arith.constant 0 : i32
    %c0_i32_0 = arith.constant 0 : i32
    %c0_i32_1 = arith.constant 0 : i32
    return %c0_i32, %arg0, %c0_i32_0 : i32, i32, i32
  }
  func.func @transform_3(%arg0: i32) -> (i32, i32) {
    %c0_i32 = arith.constant 0 : i32
    %c0_i32_0 = arith.constant 0 : i32
    %c0_i32_1 = arith.constant 0 : i32
    return %c0_i32, %c0_i32_0 : i32, i32
  }
  func.func @transform_4(%arg0: i32) -> (i32, i32) {
    %c0_i32 = arith.constant 0 : i32
    %c0_i32_0 = arith.constant 0 : i32
    %c0_i32_1 = arith.constant 0 : i32
    return %c0_i32, %c0_i32_0 : i32, i32
  }
  func.func @transform_5(%arg0: i32) -> (i32, i32) {
    %c0_i32 = arith.constant 0 : i32
    %c0_i32_0 = arith.constant 0 : i32
    %c0_i32_1 = arith.constant 0 : i32
    return %c0_i32, %c0_i32_0 : i32, i32
  }
  func.func @transform_6(%arg0: i32) -> (i32, i32) {
    %c0_i32 = arith.constant 0 : i32
    %c0_i32_0 = arith.constant 0 : i32
    return %arg0, %c0_i32 : i32, i32
  }
  func.func @transform_7(%arg0: i32) -> (i32, i32, i32) {
    %c0_i32 = arith.constant 0 : i32
    %c0_i32_0 = arith.constant 0 : i32
    %c0_i32_1 = arith.constant 0 : i32
    return %c0_i32, %arg0, %c0_i32_0 : i32, i32, i32
  }
}

module attributes {stable_mosaic.version = 14 : i64} {
  func.func @_scale_split(%arg0: i32, %arg1: memref<2x400x128xf32, #tpu.memory_space<vmem>>, %arg2: memref<400x256xf32, #tpu.memory_space<vmem>>, %arg3: memref<2x400x128xf32, #tpu.memory_space<vmem>>) attributes {dimension_semantics = [#tpu.dimension_semantics<arbitrary>], iteration_bounds = array<i64: 25>, scalar_prefetch = 0 : i64, scratch_operands = 0 : i64, tpu.core_type = #tpu.core_type<tc>, window_params = [{transform_indices = @transform_0, window_bounds = array<i64: 2, 400, 128>}, {transform_indices = @transform_1, window_bounds = array<i64: 400, 256>}, {transform_indices = @transform_2, window_bounds = array<i64: 2, 400, 128>}]} {
    %get3A = arith.constant 0 : index
    %get3A_0 = arith.constant 0 : index
    %get3A_1 = vector.load %arg2[%get3A, %get3A_0] : memref<400x256xf32, #tpu.memory_space<vmem>>, vector<400x256xf32>
    %get3A_2 = arith.constant 0 : index
    %get3A_3 = arith.constant 0 : index
    %get3A_4 = arith.constant 0 : index
    %get3A_5 = vector.load %arg1[%get3A_2, %get3A_3, %get3A_4] : memref<2x400x128xf32, #tpu.memory_space<vmem>>, vector<1x400x128xf32>
    %get3A_6 = vector.shape_cast %get3A_5 : vector<1x400x128xf32> to vector<400x128xf32>
    %slice3A = vector.extract_strided_slice %get3A_6 {offsets = [0, 0], sizes = [400, 1], strides = [1, 1]} : vector<400x128xf32> to vector<400x1xf32>
    %get3A_7 = arith.constant 1 : index
    %get3A_8 = arith.constant 0 : index
    %get3A_9 = arith.constant 0 : index
    %get3A_10 = vector.load %arg1[%get3A_7, %get3A_8, %get3A_9] : memref<2x400x128xf32, #tpu.memory_space<vmem>>, vector<1x400x128xf32>
    %get3A_11 = vector.shape_cast %get3A_10 : vector<1x400x128xf32> to vector<400x128xf32>
    %slice3A_12 = vector.extract_strided_slice %get3A_11 {offsets = [0, 0], sizes = [400, 1], strides = [1, 1]} : vector<400x128xf32> to vector<400x1xf32>
    %add3A = arith.addf %slice3A, %slice3A_12 : vector<400x1xf32>
    %add3A_13 = arith.constant 1.000000e+00 : f32
    %add3A_14 = vector.broadcast %add3A_13 : f32 to vector<400x1xf32>
    %add3A_15 = arith.addf %add3A, %add3A_14 : vector<400x1xf32>
    %rsqrt3A = math.rsqrt %add3A_15 : vector<400x1xf32>
    %mul3A = vector.broadcast %rsqrt3A : vector<400x1xf32> to vector<400x256xf32>
    %mul3A_16 = arith.mulf %get3A_1, %mul3A : vector<400x256xf32>
    %slice3A_17 = vector.extract_strided_slice %mul3A_16 {offsets = [0, 0], sizes = [400, 128], strides = [1, 1]} : vector<400x256xf32> to vector<400x128xf32>
    %swap3A = arith.constant 0 : index
    %swap3A_18 = arith.constant 0 : index
    %swap3A_19 = arith.constant 0 : index
    %swap3A_20 = vector.load %arg3[%swap3A, %swap3A_18, %swap3A_19] : memref<2x400x128xf32, #tpu.memory_space<vmem>>, vector<1x400x128xf32>
    %swap3A_21 = vector.shape_cast %swap3A_20 : vector<1x400x128xf32> to vector<400x128xf32>
    %swap3A_22 = vector.shape_cast %slice3A_17 : vector<400x128xf32> to vector<1x400x128xf32>
    tpu.vector_store %arg3[%swap3A, %swap3A_18, %swap3A_19], %swap3A_22 {strides = array<i32>} : memref<2x400x128xf32, #tpu.memory_space<vmem>>, vector<1x400x128xf32>,
    %slice3A_23 = vector.extract_strided_slice %mul3A_16 {offsets = [0, 128], sizes = [400, 128], strides = [1, 1]} : vector<400x256xf32> to vector<400x128xf32>
    %swap3A_24 = arith.constant 1 : index
    %swap3A_25 = arith.constant 0 : index
    %swap3A_26 = arith.constant 0 : index
    %swap3A_27 = vector.load %arg3[%swap3A_24, %swap3A_25, %swap3A_26] : memref<2x400x128xf32, #tpu.memory_space<vmem>>, vector<1x400x128xf32>
    %swap3A_28 = vector.shape_cast %swap3A_27 : vector<1x400x128xf32> to vector<400x128xf32>
    %swap3A_29 = vector.shape_cast %slice3A_23 : vector<400x128xf32> to vector<1x400x128xf32>
    tpu.vector_store %arg3[%swap3A_24, %swap3A_25, %swap3A_26], %swap3A_29 {strides = array<i32>} : memref<2x400x128xf32, #tpu.memory_space<vmem>>, vector<1x400x128xf32>,
    return
  }
  func.func @transform_0(%arg0: i32) -> (i32, i32, i32) {
    %c0_i32 = arith.constant 0 : i32
    %c0_i32_0 = arith.constant 0 : i32
    %c0_i32_1 = arith.constant 0 : i32
    return %c0_i32, %arg0, %c0_i32_0 : i32, i32, i32
  }
  func.func @transform_1(%arg0: i32) -> (i32, i32) {
    %c0_i32 = arith.constant 0 : i32
    %c0_i32_0 = arith.constant 0 : i32
    return %arg0, %c0_i32 : i32, i32
  }
  func.func @transform_2(%arg0: i32) -> (i32, i32, i32) {
    %c0_i32 = arith.constant 0 : i32
    %c0_i32_0 = arith.constant 0 : i32
    %c0_i32_1 = arith.constant 0 : i32
    return %c0_i32, %arg0, %c0_i32_0 : i32, i32, i32
  }
}

module attributes {stable_mosaic.version = 14 : i64} {
  func.func @_merge_bias(%arg0: i32, %arg1: memref<2x400x128xf32, #tpu.memory_space<vmem>>, %arg2: memref<2x400x128xf32, #tpu.memory_space<vmem>>, %arg3: memref<2x400x128xf32, #tpu.memory_space<vmem>>, %arg4: memref<1x256xf32, #tpu.memory_space<vmem>>, %arg5: memref<400x256xf32, #tpu.memory_space<vmem>>) attributes {dimension_semantics = [#tpu.dimension_semantics<arbitrary>], iteration_bounds = array<i64: 25>, scalar_prefetch = 0 : i64, scratch_operands = 0 : i64, tpu.core_type = #tpu.core_type<tc>, window_params = [{transform_indices = @transform_0, window_bounds = array<i64: 2, 400, 128>}, {transform_indices = @transform_1, window_bounds = array<i64: 2, 400, 128>}, {transform_indices = @transform_2, window_bounds = array<i64: 2, 400, 128>}, {pipeline_mode = #tpu.pipeline_mode<synchronous>, transform_indices = @transform_3, window_bounds = array<i64: 1, 256>}, {transform_indices = @transform_4, window_bounds = array<i64: 400, 256>}]} {
    %get3A = arith.constant 0 : index
    %get3A_0 = arith.constant 0 : index
    %get3A_1 = arith.constant 0 : index
    %get3A_2 = vector.load %arg3[%get3A, %get3A_0, %get3A_1] : memref<2x400x128xf32, #tpu.memory_space<vmem>>, vector<1x400x128xf32>
    %get3A_3 = vector.shape_cast %get3A_2 : vector<1x400x128xf32> to vector<400x128xf32>
    %slice3A = vector.extract_strided_slice %get3A_3 {offsets = [0, 0], sizes = [400, 1], strides = [1, 1]} : vector<400x128xf32> to vector<400x1xf32>
    %get3A_4 = arith.constant 1 : index
    %get3A_5 = arith.constant 0 : index
    %get3A_6 = arith.constant 0 : index
    %get3A_7 = vector.load %arg3[%get3A_4, %get3A_5, %get3A_6] : memref<2x400x128xf32, #tpu.memory_space<vmem>>, vector<1x400x128xf32>
    %get3A_8 = vector.shape_cast %get3A_7 : vector<1x400x128xf32> to vector<400x128xf32>
    %slice3A_9 = vector.extract_strided_slice %get3A_8 {offsets = [0, 0], sizes = [400, 1], strides = [1, 1]} : vector<400x128xf32> to vector<400x1xf32>
    %add3A = arith.addf %slice3A, %slice3A_9 : vector<400x1xf32>
    %add3A_10 = arith.constant 1.000000e+00 : f32
    %add3A_11 = vector.broadcast %add3A_10 : f32 to vector<400x1xf32>
    %add3A_12 = arith.addf %add3A, %add3A_11 : vector<400x1xf32>
    %rsqrt3A = math.rsqrt %add3A_12 : vector<400x1xf32>
    %get3A_13 = arith.constant 0 : index
    %get3A_14 = arith.constant 0 : index
    %get3A_15 = arith.constant 0 : index
    %get3A_16 = vector.load %arg1[%get3A_13, %get3A_14, %get3A_15] : memref<2x400x128xf32, #tpu.memory_space<vmem>>, vector<1x400x128xf32>
    %get3A_17 = vector.shape_cast %get3A_16 : vector<1x400x128xf32> to vector<400x128xf32>
    %get3A_18 = arith.constant 0 : index
    %get3A_19 = arith.constant 0 : index
    %get3A_20 = arith.constant 0 : index
    %get3A_21 = vector.load %arg2[%get3A_18, %get3A_19, %get3A_20] : memref<2x400x128xf32, #tpu.memory_space<vmem>>, vector<1x400x128xf32>
    %get3A_22 = vector.shape_cast %get3A_21 : vector<1x400x128xf32> to vector<400x128xf32>
    %add3A_23 = arith.addf %get3A_17, %get3A_22 : vector<400x128xf32>
    %mul3A = vector.broadcast %rsqrt3A : vector<400x1xf32> to vector<400x128xf32>
    %mul3A_24 = arith.mulf %add3A_23, %mul3A : vector<400x128xf32>
    %get3A_25 = arith.constant 1 : index
    %get3A_26 = arith.constant 0 : index
    %get3A_27 = arith.constant 0 : index
    %get3A_28 = vector.load %arg1[%get3A_25, %get3A_26, %get3A_27] : memref<2x400x128xf32, #tpu.memory_space<vmem>>, vector<1x400x128xf32>
    %get3A_29 = vector.shape_cast %get3A_28 : vector<1x400x128xf32> to vector<400x128xf32>
    %get3A_30 = arith.constant 1 : index
    %get3A_31 = arith.constant 0 : index
    %get3A_32 = arith.constant 0 : index
    %get3A_33 = vector.load %arg2[%get3A_30, %get3A_31, %get3A_32] : memref<2x400x128xf32, #tpu.memory_space<vmem>>, vector<1x400x128xf32>
    %get3A_34 = vector.shape_cast %get3A_33 : vector<1x400x128xf32> to vector<400x128xf32>
    %add3A_35 = arith.addf %get3A_29, %get3A_34 : vector<400x128xf32>
    %mul3A_36 = vector.broadcast %rsqrt3A : vector<400x1xf32> to vector<400x128xf32>
    %mul3A_37 = arith.mulf %add3A_35, %mul3A_36 : vector<400x128xf32>
    %concatenate3A = tpu.concatenate %mul3A_24, %mul3A_37 in 1 : vector<400x128xf32>, vector<400x128xf32> -> vector<400x256xf32>
    %get3A_38 = arith.constant 0 : index
    %get3A_39 = arith.constant 0 : index
    %get3A_40 = vector.load %arg4[%get3A_38, %get3A_39] : memref<1x256xf32, #tpu.memory_space<vmem>>, vector<1x256xf32>
    %add3A_41 = vector.broadcast %get3A_40 : vector<1x256xf32> to vector<400x256xf32>
    %add3A_42 = arith.addf %concatenate3A, %add3A_41 : vector<400x256xf32>
    %swap3A = arith.constant 0 : index
    %swap3A_43 = arith.constant 0 : index
    %swap3A_44 = vector.load %arg5[%swap3A, %swap3A_43] : memref<400x256xf32, #tpu.memory_space<vmem>>, vector<400x256xf32>
    tpu.vector_store %arg5[%swap3A, %swap3A_43], %add3A_42 {strides = array<i32>} : memref<400x256xf32, #tpu.memory_space<vmem>>, vector<400x256xf32>,
    return
  }
  func.func @transform_0(%arg0: i32) -> (i32, i32, i32) {
    %c0_i32 = arith.constant 0 : i32
    %c0_i32_0 = arith.constant 0 : i32
    %c0_i32_1 = arith.constant 0 : i32
    return %c0_i32, %arg0, %c0_i32_0 : i32, i32, i32
  }
  func.func @transform_1(%arg0: i32) -> (i32, i32, i32) {
    %c0_i32 = arith.constant 0 : i32
    %c0_i32_0 = arith.constant 0 : i32
    %c0_i32_1 = arith.constant 0 : i32
    return %c0_i32, %arg0, %c0_i32_0 : i32, i32, i32
  }
  func.func @transform_2(%arg0: i32) -> (i32, i32, i32) {
    %c0_i32 = arith.constant 0 : i32
    %c0_i32_0 = arith.constant 0 : i32
    %c0_i32_1 = arith.constant 0 : i32
    return %c0_i32, %arg0, %c0_i32_0 : i32, i32, i32
  }
  func.func @transform_3(%arg0: i32) -> (i32, i32) {
    %c0_i32 = arith.constant 0 : i32
    %c0_i32_0 = arith.constant 0 : i32
    %c0_i32_1 = arith.constant 0 : i32
    return %c0_i32, %c0_i32_0 : i32, i32
  }
  func.func @transform_4(%arg0: i32) -> (i32, i32) {
    %c0_i32 = arith.constant 0 : i32
    %c0_i32_0 = arith.constant 0 : i32
    return %arg0, %c0_i32 : i32, i32
  }
}

</mosaic_0001>

<sc_bundles>
// kernel: kernel.11.cloned.1.call-start
scs
__scs_entry_jumppad:
0x0: {  	(pc) =	sbr.rel $0x88, $3  }
0x1: {  	(tag) =	ssettag $0x0;
	lr =	simm.s32 $0x1  }
0x2: {  	[smem:$0x3F9B] =	sst lr;
	_ =	strace $0xD0000000  }
0x3: {  	_ = 	snop  }
0x4: {  	_ = 	snop  }
0x5: {  	_ = 	snop  }
0x6: {  	_ = 	snop  }
0x7: {  	_ = 	snop  }
__scs_overlays_trampoline_lowered:
0x8: {  	[smem:$0x3FAA] =	sst s0  }
0x9: {  	[smem:$0x3FAB] =	sst s1  }
0xa: {  	[smem:$0x3FAC] =	sst s2  }
0xb: {  	[smem:$0x3FAD] =	sst s3  }
0xc: {  	[smem:$0x3FAE] =	sst s4  }
0xd: {  	[smem:$0x3FAF] =	sst s5  }
0xe: {  	[smem:$0x3FB0] =	sst s6  }
0xf: {  	[smem:$0x3FB1] =	sst s7  }
0x10: {  	[smem:$0x3FB2] =	sst s8  }
0x11: {  	[smem:$0x3FB3] =	sst s9;
	s0 =	simm.s32 @!p0 $0x0  }
0x12: {  	s1 =	sld [smem:$0x3F99];
	s0 =	simm.s32 @p0 $0x1  }
0x13: {  	[smem:$0x3FB4] =	sst s0;
	s0 =	simm.s32 @!p1 $0x0  }
0x14: {  	s2 =	sld [smem:$0x3F98];
	s0 =	simm.s32 @p1 $0x1  }
0x15: {  	[smem:$0x3FB5] =	sst s0;
	s0 =	simm.s32 @!p2 $0x0  }
0x16: {  	s3 =	sld [smem:$0x3FDB];
	s0 =	simm.s32 @p2 $0x1  }
0x17: {  	s4 =	simm.s32 $0x1BF5;
	[smem:$0x3FB7] =	sst s0  }
0x18: {  	s0 =	sld [smem:$0x3F9A];
	_ =	swait.ge [sflag:s4], $0x0  }
0x19: {  	s7 =	sld [smem:$0x3F9B]  }
0x1a: {  	s8 =	sadd.s32 $0xFFFFE003, lr  }
0x1b: {  	s9 =	sadd.s32 $0xFFFFFEF7, lr;
	s5 =	simm.s32 $0xFFFFFFFF;
	p2 =	slt.u32 s8, $0xFFFFF086  }
0x1c: {  	p1 =	slt.u32 s9, $0xF7A;
	s5 =	simm.s32 @!p2 $0x0  }
0x1d: {  	s5 =	simm.s32 @p1 $0x1;
	p0 =	seq.s32 s7, s2  }
0x1e: {  	s7 =	smul.u32 @!p0 $0xF7A, s2;
	p2 =	seq.s32 @!p0 s5, $0x0  }
0x1f: {  	s9 =	smul.u32 $0xF7A, s1;
	s8 =	simm.s32 @!p0 $0x1BF5;
	p2 =	por !p2, p0  }
0x20: {  	[sflag:s8] =	ssyncset.s32 @!p0 $0xFFFFF086;
	s6 =	sadd.s32 @!p0 s3, s7;
	s7 =	simm.s32 @!p0 $0x108  }
0x21: {  	s3 =	sadd.s32 s3, s9;
	s6 =	sadd.s32 @!p0 $0x88, s6;
	s7 =	simm.s32 @p2 $0x1082  }
0x22: {  	[simem:s7], [sflag:s8] =	dma.local @!p0 [hbm:s6], $0xF7A  }
0x23: {  	s9 =	sor.u32 $0xD0000000, s2;
	s6 =	simm.s32 $0x108;
	_ =	swait.ge @!p0 [sflag:s8], $0x0  }
0x24: {  	s3 =	sadd.s32 $0x88, s3;
	s6 =	simm.s32 @!p1 $0x1082;
	[sflag:s4] =	ssyncset.s32 $0xFFFFF086  }
0x25: {  	[simem:s6], [sflag:s4] =	dma.local [hbm:s3], $0xF7A  }
0x26: {  	[smem:$0x3F9B] =	sst s1;
	(tag) =	ssettag s2;
	_ =	strace s9  }
0x27: {  	s1 =	sld [smem:$0x3FAB]  }
0x28: {  	s2 =	sld [smem:$0x3FAC]  }
0x29: {  	s4 =	sld [smem:$0x3FAE]  }
0x2a: {  	p0 =	seq.s32 s5, $0x0;
	s5 =	sld [smem:$0x3FAF]  }
0x2b: {  	s6 =	sld [smem:$0x3FB0]  }
0x2c: {  	s7 =	sld [smem:$0x3FB1]  }
0x2d: {  	s3 =	simm.s32 $0x108;
	s8 =	sld [smem:$0x3FB2]  }
0x2e: {  	s3 =	simm.s32 @!p0 $0x1082;
	s9 =	sld [smem:$0x3FB3]  }
0x2f: {  	lr =	sadd.s32 s0, s3;
	s0 =	sld [smem:$0x3FAA]  }
0x30: {  	s3 =	sld [smem:$0x3FAD]  }
0x31: {  	[smem:$0x3FB6] =	sst s10  }
0x32: {  	s10 =	sld [smem:$0x3FB4];
	_ =	sdelay $0x3  }
0x33: {  	p0 =	seq.s32 s10, $0x1;
	s10 =	sld [smem:$0x3FB6];
	_ =	sdelay $0x3  }
0x34: {  	[smem:$0x3FB6] =	sst s10  }
0x35: {  	s10 =	sld [smem:$0x3FB5];
	_ =	sdelay $0x3  }
0x36: {  	p1 =	seq.s32 s10, $0x1;
	s10 =	sld [smem:$0x3FB6];
	_ =	sdelay $0x3  }
0x37: {  	[smem:$0x3FB6] =	sst s10  }
0x38: {  	s10 =	sld [smem:$0x3FB7]  }
0x39: {  	_ = 	snop;
	(pc) =	sbr.ind lr, $3  }
0x3a: {  	_ = 	snop  }
0x3b: {  	_ = 	snop  }
0x3c: {  	p2 =	seq.s32 s10, $0x1;
	s10 =	sld [smem:$0x3FB6]  }
0x3d: {  	_ =	shalt  }
0x3e: {  	_ =	shalt  }
0x3f: {  	_ =	shalt  }
0x40: {  	_ =	shalt  }
0x41: {  	_ =	shalt  }
0x42: {  	_ =	shalt  }
0x43: {  	_ =	shalt  }
0x44: {  	_ =	shalt  }
0x45: {  	_ =	shalt  }
0x46: {  	_ =	shalt  }
0x47: {  	_ =	shalt  }
0x48: {  	_ =	shalt  }
0x49: {  	_ =	shalt  }
0x4a: {  	_ =	shalt  }
0x4b: {  	_ =	shalt  }
0x4c: {  	_ =	shalt  }
0x4d: {  	_ =	shalt  }
0x4e: {  	_ =	shalt  }
0x4f: {  	_ =	shalt  }
0x50: {  	_ =	shalt  }
0x51: {  	_ =	shalt  }
0x52: {  	_ =	shalt  }
0x53: {  	_ =	shalt  }
0x54: {  	_ =	shalt  }
0x55: {  	_ =	shalt  }
0x56: {  	_ =	shalt  }
0x57: {  	_ =	shalt  }
0x58: {  	_ =	shalt  }
0x59: {  	_ =	shalt  }
0x5a: {  	_ =	shalt  }
0x5b: {  	_ =	shalt  }
0x5c: {  	_ =	shalt  }
0x5d: {  	_ =	shalt  }
0x5e: {  	_ =	shalt  }
0x5f: {  	_ =	shalt  }
0x60: {  	_ =	shalt  }
0x61: {  	_ =	shalt  }
0x62: {  	_ =	shalt  }
0x63: {  	_ =	shalt  }
0x64: {  	_ =	shalt  }
0x65: {  	_ =	shalt  }
0x66: {  	_ =	shalt  }
0x67: {  	_ =	shalt  }
0x68: {  	_ =	shalt  }
0x69: {  	_ =	shalt  }
0x6a: {  	_ =	shalt  }
0x6b: {  	_ =	shalt  }
0x6c: {  	_ =	shalt  }
0x6d: {  	_ =	shalt  }
0x6e: {  	_ =	shalt  }
0x6f: {  	_ =	shalt  }
0x70: {  	_ =	shalt  }
0x71: {  	_ =	shalt  }
0x72: {  	_ =	shalt  }
0x73: {  	_ =	shalt  }
0x74: {  	_ =	shalt  }
0x75: {  	_ =	shalt  }
0x76: {  	_ =	shalt  }
0x77: {  	_ =	shalt  }
0x78: {  	_ =	shalt  }
0x79: {  	_ =	shalt  }
0x7a: {  	_ =	shalt  }
0x7b: {  	_ =	shalt  }
0x7c: {  	_ =	shalt  }
0x7d: {  	_ =	shalt  }
0x7e: {  	_ =	shalt  }
0x7f: {  	_ =	shalt  }
0x80: {  	_ =	shalt  }
0x81: {  	_ =	shalt  }
0x82: {  	_ =	shalt  }
0x83: {  	_ =	shalt  }
0x84: {  	_ =	shalt  }
0x85: {  	_ =	shalt  }
0x86: {  	_ =	shalt  }
0x87: {  	_ =	shalt  }
.Lfunc_end0:
.L_simem_size_0:
called_computation.1_lowered:
.L_overlay_start_0:
0x88: {  	s2 =	sld [smem:$0x3FD9]  }
0x89: {  	s3 =	sld [smem:$0x3FFE];
	_ =	sdelay $0x1  }
0x8a: {  	s1 =	srdreg.scid  }
0x8b: {  	s0 =	sand.u32 $0x1, s1  }
0x8c: {  	s14 =	sshll.u32 s0, $0xA;
	s2 =	sadd.s32 s3, s2  }
0x8d: {  	s2 =	sadd.s32 s2, s14  }
0x8e: {  	[smem:$0x3FC2] =	sst s2  }
0x8f: {  	_ = 	snop  }
0x90: {  	s2 =	sld [smem:$0x3FD0];
	_ =	sdelay $0x2  }
0x91: {  	s15 =	simm.s32 $0xA;
	s4 =	simm.s32 $0x10  }
0x92: {  	[smem:s4], [sflag:s15] =	dma.local [hbm:s2], $0x1  }
0x93: {  	_ =	swait.eq [sflag:s15], $0x1  }
0x94: {  	[sflag:s15] =	ssyncset.done $0x0  }
0x95: {  	[sflag:s15] =	ssyncadd.s32 $0xFFFFFFFF  }
0x96: {  	s16 =	sld [smem:$0x10];
	(tm) =	ssettm $0x1  }
0x97: {  	s17 =	sld [smem:$0x3FFB];
	_ =	sdelay $0x3  }
0x98: {  	_ =	strace s17  }
0x99: {  	s3 =	sld [smem:$0x3FFC];
	_ =	sdelay $0x3  }
0x9a: {  	_ =	strace s3  }
0x9b: {  	s3 =	sld [smem:$0x3FFD];
	_ =	sdelay $0x3  }
0x9c: {  	_ =	strace s3  }
0x9d: {  	_ =	strace $0x8FFFFFFF  }
0x9e: {  	s18 =	sld [smem:$0x3FDB];
	_ =	sdelay $0x1  }
0x9f: {  	s19 =	simm.s32 $_scs_section_size  }
0xa0: {  	s5 =	simm.s32 $_size__tile_overlayer_lowered;
	s6 =	simm.s32 $_tile_overlayer_lowered  }
0xa1: {  	s22 =	simm.s32 $0x1BFF;
	s21 =	sshll.u32 s6, $0x1;
	s3 =	sadd.s32 s19, s18  }
0xa2: {  	s7 =	simm.s32 $0x0;
	s20 =	sshll.u32 s5, $0x1;
	s5 =	sadd.s32 s21, s3  }
0xa3: {  	[timem:s7], [sflag:s22] =	dma.local [hbm:s5], s20  }
0xa4: {  	_ =	swait.ge [sflag:s22], s20  }
0xa5: {  	s4 =	ssub.s32 $0x0, s20;
	[sflag:s22] =	ssyncset.done $0x0  }
0xa6: {  	[sflag:s22] =	ssyncadd.s32 s4;
	_ =	sdelay $0x1  }
0xa7: {  	s23 =	simm.s32 $0x1B8B  }
0xa8: {  	_ =	swait.ge [sflag:s23], $0x1  }
0xa9: {  	[sflag:s23] =	ssyncset.done $0x0  }
0xaa: {  	s25 =	simm.s32 $0x1B8E;
	s24 =	sld [smem:$0x3FFE];
	[sflag:s23] =	ssyncadd.s32 $0xFFFFFFFF  }
0xab: {  	s26 =	simm.s32 $execute0_lowered;
	[smem:$0x3FD2] =	sst s25  }
0xac: {  	s5 =	sshll.u32 s26, $0x1;
	_ =	strace $0x80000049;
	[dreg:$0x1] =	wrdreg $0xFFFFFFFF  }
0xad: {  	s28 =	simm.s32 $_size_execute0_lowered;
	s3 =	sadd.s32 s3, s5;
	[dreg:$0x0] =	wrdreg $0x0  }
0xae: {  	s5 =	sshll.u32 s28, $0x1;
	[dreg:$0x2] =	wrdreg s3  }
0xaf: {  	[dreg:$0x3] =	wrdreg s5  }
0xb0: {  	[dreg:$0x4] =	wrdreg $0xC0  }
0xb1: {  	_ =	task [dreg:s7], $0x5FFFF  }
0xb2: {  	[dreg:$0x1] =	wrdreg $0xFFFFFFFF  }
0xb3: {  	[dreg:$0x0] =	wrdreg $0x60  }
0xb4: {  	[dreg:$0x2] =	wrdreg s24  }
0xb5: {  	[dreg:$0x3] =	wrdreg s16  }
0xb6: {  	[dreg:$0x4] =	wrdreg $0x90000  }
0xb7: {  	[dreg:$0x5] =	wrdreg $0x9  }
0xb8: {  	_ =	task.clear_ibuf [dreg:s7], $0x6FFFF;
	_ =	strace $0x90000049  }
0xb9: {  	s29 =	simm.s32 $0x9;
	_ =	strace $0x8000004B  }
0xba: {  	_ =	swait.ge [sflag:s29], $0x1  }
0xbb: {  	[sflag:s29] =	ssyncadd.s32 $0xFFFFFFFF  }
0xbc: {  	_ =	strace $0x9000004B  }
0xbd: {  	_ =	sfence  }
0xbe: {  	s30 =	sld [smem:$0x0];
	_ =	sdelay $0x2  }
0xbf: {  	s31 =	sshll.u32 s1, $0xD;
	s1 =	sshrl.u32 s1, $0x2  }
0xc0: {  	s3 =	sand.u32 $0x4000, s31;
	s1 =	sadd.s32 s1, s30  }
0xc1: {  	s0 =	sor.u32 s3, s0;
	s1 =	sshll.u32 s1, $0x11  }
0xc2: {  	s0 =	sor.u32 s1, s0  }
0xc3: {  	s0 =	sadd.s32 $0x8F2B, s0  }
0xc4: {  	[sflag:s0] =	ssyncadd.remote.s32 $0x1  }
0xc5: {  	_ =	sfence.sel $0xFFFF  }
0xc6: {  	[dreg:$0x0] =	wrdreg $0xFFFFFFFF;
	(pc) =	sbr.abs _section_cstart, $3  }
0xc7: {  	[dreg:$0x1] =	wrdreg $0xFFFFFFFF  }
0xc8: {  	_ =	task.clear_ibuf [dreg:s7], $0x2FFFF;
	_ =	strace $0x9FFFFFFF  }
0xc9: {  	(tm) =	ssettm $0x7FFFFFFF  }
tec
execute0_lowered:
.L_overlay_start_1:
0x0: {  	(tag) =	ssettag $0x1  }
0x1: {  	s0 =	rddreg [dreg:$0x0]  }
0x2: {  	s2 =	rddreg [dreg:$0x1]  }
0x3: {  	s3 =	rddreg [dreg:$0x2];
	s1 =	srdreg.scid  }
0x4: {  	s9 =	stileid.u32;
	s5 =	simm.s32 $0x0;
	s15 =	simm.s32 $0x1000  }
0x5: {  	s16 =	simm.s32 $0x3;
	s17 =	simm.s32 $0x800;
	s18 =	simm.s32 $0x80  }
0x6: {  	s19 =	simm.s32 $0x1;
	s13 =	simm.s32 $0xC00;
	s14 =	simm.s32 $0x500  }
0x7: {  	s28 =	simm.s32 $0x700;
	s29 =	simm.s32 $0xE80;
	s4 =	smul.u32 $0x2780, s9  }
0x8: {  	s30 =	simm.s32 $0x780;
	s31 =	simm.s32 $0xF00;
	s8 =	smul.u32 $0x4F000, s9  }
0x9: {  	s1 =	sand.u32 $0x1, s1;
	[smem:$0x7FF] =	sst s5;
	s9 =	smul.u32 $0x2800, s9  }
0xa: {  	s5 =	sadd.s32 $0x56400, s0;
	s6 =	sadd.s32 $0x2400, s0;
	s7 =	smul.u32 $0x27800, s1  }
0xb: {  	_ =	strace $0x8000004A;
	s20 =	ssub.s32 $0x2, s1;
	s1 =	smul.u32 $0x2710, s1  }
0xc: {  	s21 =	sshrl.u32 s8, $0x2;
	s22 =	sshrl.u32 s20, $0x1;
	s8 =	simm.s32 $0x0  }
0xd: {  	s4 =	sadd.s32 s4, s7;
	s10 =	sadd.s32 s21, s3;
	s21 =	simm.s32 $0x2  }
0xe: {  	s0 =	sadd.s32 s4, s0;
	s7 =	sadd.s32 $0x10000, s10;
	[dreg:$0x4] =	wrdreg s10  }
0xf: {  	s4 =	ssub.s32 s20, s22;
	s24 =	sadd.s32 $0x4000, s10;
	[dreg:$0x5] =	wrdreg s7  }
0x10: {  	s25 =	sadd.s32 $0x8000, s10;
	s26 =	sadd.s32 $0xC000, s10;
	[dreg:$0x8] =	wrdreg s24  }
0x11: {  	s20 =	simm.s32 $0x5000;
	s22 =	simm.s32 $0xD00;
	[dreg:$0x9] =	wrdreg s25  }
0x12: {  	s0 =	sadd.s32 $0x5B400, s0;
	s23 =	smax.u32 s4, $0x1;
	[dreg:$0xa] =	wrdreg s26  }
0x13: {  	s7 =	simm.s32 $0xC80;
	s4 =	simm.s32 $0x580;
	s24 =	simm.s32 $0xD80  }
0x14: {  	s25 =	simm.s32 $0x680;
	s26 =	simm.s32 $0xE00;
	[dreg:$0x6] =	wrdreg s0  }
0x15: {  	v1 =	vimm.f32 $0.0e+00;
	v0 =	vmov s1;
	[dreg:$0x7] =	wrdreg s23;
	s23 =	simm.s32 $0x600;
	s0 =	simm.s32 $0xF80  }
.LBB2_1:
0x16: {  	[dreg:$0xb] =	wrdreg s8;
	s1 =	simm.s32 $0x0;
	s8 =	simm.s32 $0x200  }
.LBB2_2:
0x17: {  	p0 =	sne.s32 s8, $0xFE00;
	[tilespmem:s1+$0x1070] =	vst v1  }
0x18: {  	[tilespmem:s1+$0x1000] =	vst v1  }
0x19: {  	[tilespmem:s1+$0x1010] =	vst v1  }
.Ltmp0:
0x1a: {  	[tilespmem:s1+$0x1020] =	vst v1;
	(pc) =	sbr.rel @p0 .LBB2_2-.Ltmp0, $4  }
0x1b: {  	[tilespmem:s1+$0x1030] =	vst v1  }
0x1c: {  	[tilespmem:s1+$0x1040] =	vst v1  }
0x1d: {  	[tilespmem:s1+$0x1050] =	vst v1  }
0x1e: {  	[tilespmem:s1+$0x1060] =	vst v1;
	s1 =	sshra.s32 s8, $0x2;
	s8 =	sadd.s32 $0x200, s8  }
0x1f: {  	[tilespmem:s1+$0x1070] =	vst v1  }
0x20: {  	[tilespmem:s1+$0x1000] =	vst v1  }
0x21: {  	[tilespmem:s1+$0x1010] =	vst v1  }
0x22: {  	[tilespmem:s1+$0x1020] =	vst v1  }
0x23: {  	[tilespmem:s1+$0x1030] =	vst v1  }
0x24: {  	[tilespmem:s1+$0x1040] =	vst v1  }
0x25: {  	[tilespmem:s1+$0x1050] =	vst v1  }
0x26: {  	[tilespmem:s1+$0x1060] =	vst v1  }
0x27: {  	[spmem:s10] =	stream.linear.scatter [tilespmem:s15], [sflag:$0x3], $0x4000, $0x38;
	[tilespmem:$0x1CC00] =	vst v63  }
0x28: {  	_ =	swait.ge [sflag:s16], $0x4000  }
0x29: {  	[sflag:s16] =	ssyncset.done $0x0  }
0x2a: {  	s8 =	rddreg [dreg:$0x8];
	[sflag:s16] =	ssyncadd.s32 $0xFFFFC000  }
0x2b: {  	[spmem:s8] =	stream.linear.scatter [tilespmem:s15], [sflag:$0x3], $0x4000, $0x38;
	[tilespmem:$0x1CC00] =	vst v63  }
0x2c: {  	_ =	swait.ge [sflag:s16], $0x4000  }
0x2d: {  	[sflag:s16] =	ssyncset.done $0x0  }
0x2e: {  	s10 =	rddreg [dreg:$0x9];
	[sflag:s16] =	ssyncadd.s32 $0xFFFFC000  }
0x2f: {  	[spmem:s10] =	stream.linear.scatter [tilespmem:s15], [sflag:$0x3], $0x4000, $0x38;
	[tilespmem:$0x1CC00] =	vst v63  }
0x30: {  	_ =	swait.ge [sflag:s16], $0x4000  }
0x31: {  	[sflag:s16] =	ssyncset.done $0x0  }
0x32: {  	s11 =	rddreg [dreg:$0xa];
	[sflag:s16] =	ssyncadd.s32 $0xFFFFC000  }
0x33: {  	[spmem:s11] =	stream.linear.scatter [tilespmem:s15], [sflag:$0x3], $0x4000, $0x38;
	[tilespmem:$0x1CC00] =	vst v63  }
0x34: {  	_ =	swait.ge [sflag:s16], $0x4000  }
0x35: {  	[sflag:s16] =	ssyncset.done $0x0  }
0x36: {  	s12 =	rddreg [dreg:$0x5];
	[sflag:s16] =	ssyncadd.s32 $0xFFFFC000  }
0x37: {  	[spmem:s12] =	stream.linear.scatter [tilespmem:s15], [sflag:$0x3], $0x3C00, $0x38;
	[tilespmem:$0x1CC00] =	vst v63  }
0x38: {  	_ =	swait.ge [sflag:s16], $0x3C00  }
0x39: {  	[sflag:s16] =	ssyncset.done $0x0  }
0x3a: {  	[sflag:s16] =	ssyncadd.s32 $0xFFFFC400  }
0x3b: {  	s1 =	simm.s32 $0x0;
	s8 =	simm.s32 $0x0;
	[bflag:$0x0] =	sbarrier.arrive $0xFFFF  }
.LBB2_4:
0x3c: {  	s10 =	sshll.u32 s8, $0xB  }
0x3d: {  	s10 =	sadd.s32 s9, s10  }
0x3e: {  	s10 =	sshrl.u32 s10, $0x3  }
0x3f: {  	s11 =	sadd.s32 s5, s10  }
0x40: {  	[tilespmem:s1], [sflag:$0x3] =	stream.linear.gather [hbm4b:s11+s1], $0x800, $0x38;
	[tilespmem:$0x1CC00] =	vst v63  }
0x41: {  	_ =	swait.ge [sflag:s16], $0x800  }
0x42: {  	[sflag:s16] =	ssyncset.done $0x0  }
0x43: {  	s10 =	sadd.s32 s6, s10;
	[sflag:s16] =	ssyncadd.s32 $0xFFFFF800  }
0x44: {  	[tilespmem:s17], [sflag:$0x3] =	stream.linear.gather [hbm4b:s10+s1], $0x800, $0x38;
	[tilespmem:$0x1CC00] =	vst v63  }
0x45: {  	_ =	swait.ge [sflag:s16], $0x800  }
0x46: {  	[sflag:s16] =	ssyncset.done $0x0  }
0x47: {  	s10 =	simm.s32 $0x0;
	[sflag:s16] =	ssyncadd.s32 $0xFFFFF800  }
0x48: {  	v4 =	vld [tilespmem:s10+$0x0]  }
0x49: {  	v6 =	vld [tilespmem:s10+$0x10]  }
0x4a: {  	v5 =	vld [tilespmem:s10+$0x20]  }
0x4b: {  	v3 =	vld [tilespmem:s10+$0x30]  }
0x4c: {  	v2 =	vld [tilespmem:s10+$0x40]  }
0x4d: {  	v7 =	vadd.s32 v0, v4;
	v4 =	vld [tilespmem:s10+$0x50]  }
0x4e: {  	s11 =	simm.s32 $0x200;
	[tilespmem:s10+$0x0] =	vst v7;
	v7 =	vadd.s32 v0, v6;
	v6 =	vld [tilespmem:s10+$0x60]  }
.LBB2_5:
0x4f: {  	s12 =	sshra.s32 s11, $0x2;
	p0 =	sne.s32 s11, $0x1E00;
	[tilespmem:s10+$0x10] =	vst v7;
	v5 =	vadd.s32 v0, v5;
	v7 =	vld [tilespmem:s10+$0x70]  }
0x50: {  	v8 =	vld [tilespmem:s12+$0x0];
	[tilespmem:s10+$0x20] =	vst v5;
	v3 =	vadd.s32 v0, v3  }
0x51: {  	v9 =	vld [tilespmem:s12+$0x10];
	[tilespmem:s10+$0x30] =	vst v3;
	v2 =	vadd.s32 v0, v2  }
.Ltmp1:
0x52: {  	v5 =	vld [tilespmem:s12+$0x20];
	[tilespmem:s10+$0x40] =	vst v2;
	v2 =	vadd.s32 v0, v4;
	(pc) =	sbr.rel @p0 .LBB2_5-.Ltmp1, $4  }
0x53: {  	v3 =	vld [tilespmem:s12+$0x30];
	[tilespmem:s10+$0x50] =	vst v2;
	v4 =	vadd.s32 v0, v6  }
0x54: {  	v2 =	vld [tilespmem:s12+$0x40];
	[tilespmem:s10+$0x60] =	vst v4;
	v6 =	vadd.s32 v0, v7  }
0x55: {  	v7 =	vadd.s32 v0, v8;
	v4 =	vld [tilespmem:s12+$0x50];
	[tilespmem:s10+$0x70] =	vst v6;
	s10 =	smov.u32 s12  }
0x56: {  	s11 =	sadd.s32 $0x200, s11;
	[tilespmem:s10+$0x0] =	vst v7;
	v7 =	vadd.s32 v0, v9;
	v6 =	vld [tilespmem:s10+$0x60]  }
0x57: {  	[tilespmem:s10+$0x10] =	vst v7;
	v5 =	vadd.s32 v0, v5;
	v63 =	vld [tilespmem:s10+$0x70]  }
0x58: {  	[tilespmem:s10+$0x20] =	vst v5;
	v3 =	vadd.s32 v0, v3  }
0x59: {  	[tilespmem:s10+$0x30] =	vst v3;
	v2 =	vadd.s32 v0, v2  }
0x5a: {  	[tilespmem:s10+$0x40] =	vst v2;
	v2 =	vadd.s32 v0, v4  }
0x5b: {  	[tilespmem:s10+$0x50] =	vst v2;
	v2 =	vadd.s32 v0, v6  }
0x5c: {  	[tilespmem:s10+$0x60] =	vst v2;
	v2 =	vadd.s32 v0, v63  }
0x5d: {  	s11 =	simm.s32 $0x0;
	[tilespmem:s10+$0x70] =	vst v2  }
0x5e: {  	[tilespmem:s15], [sflag:$0x1] =	stream.indirect.gather [hbm4b:s2+s18], $0x80, s11, s18, $0xb8;
	[tilespmem:$0x1CC00] =	vst v63  }
0x5f: {  	_ =	swait.ge [sflag:s19], $0x4000  }
0x60: {  	[sflag:s19] =	ssyncset.done $0x0  }
0x61: {  	[sflag:s19] =	ssyncadd.s32 $0xFFFFC000  }
0x62: {  	[tilespmem:s20], [sflag:$0x2] =	stream.indirect.gather [hbm4b:s2+s18], $0x80, s18, s18, $0xb8;
	[tilespmem:$0x1CC00] =	vst v63  }
0x63: {  	_ = 	snop  }
0x64: {  	[spmem:s3] =	stream.indirect.scatter.add.f32 [tilespmem:s15], [sflag:$0x3], $0x80, s17, s18, $0xb8;
	[tilespmem:$0x1CC00] =	vst v63  }
0x65: {  	_ =	swait.ge [sflag:s16], $0x4000  }
0x66: {  	[sflag:s16] =	ssyncset.done $0x0  }
0x67: {  	[sflag:s16] =	ssyncadd.s32 $0xFFFFC000  }
0x68: {  	_ =	swait.ge [sflag:s21], $0x4000  }
0x69: {  	[sflag:s21] =	ssyncset.done $0x0  }
0x6a: {  	s12 =	simm.s32 $0x100;
	[sflag:s21] =	ssyncadd.s32 $0xFFFFC000  }
0x6b: {  	[tilespmem:s15], [sflag:$0x1] =	stream.indirect.gather [hbm4b:s2+s18], $0x80, s12, s18, $0xb8;
	[tilespmem:$0x1CC00] =	vst v63  }
0x6c: {  	s11 =	simm.s32 $0x880  }
0x6d: {  	[spmem:s3] =	stream.indirect.scatter.add.f32 [tilespmem:s20], [sflag:$0x3], $0x80, s11, s18, $0xb8;
	[tilespmem:$0x1CC00] =	vst v63  }
0x6e: {  	_ =	swait.ge [sflag:s16], $0x4000  }
0x6f: {  	[sflag:s16] =	ssyncset.done $0x0  }
0x70: {  	[sflag:s16] =	ssyncadd.s32 $0xFFFFC000  }
0x71: {  	_ =	swait.ge [sflag:s19], $0x4000  }
0x72: {  	[sflag:s19] =	ssyncset.done $0x0  }
0x73: {  	s12 =	simm.s32 $0x180;
	[sflag:s19] =	ssyncadd.s32 $0xFFFFC000  }
0x74: {  	[tilespmem:s20], [sflag:$0x2] =	stream.indirect.gather [hbm4b:s2+s18], $0x80, s12, s18, $0xb8;
	[tilespmem:$0x1CC00] =	vst v63  }
0x75: {  	s11 =	simm.s32 $0x900  }
0x76: {  	[spmem:s3] =	stream.indirect.scatter.add.f32 [tilespmem:s15], [sflag:$0x3], $0x80, s11, s18, $0xb8;
	[tilespmem:$0x1CC00] =	vst v63  }
0x77: {  	_ =	swait.ge [sflag:s16], $0x4000  }
0x78: {  	[sflag:s16] =	ssyncset.done $0x0  }
0x79: {  	[sflag:s16] =	ssyncadd.s32 $0xFFFFC000  }
0x7a: {  	_ =	swait.ge [sflag:s21], $0x4000  }
0x7b: {  	[sflag:s21] =	ssyncset.done $0x0  }
0x7c: {  	s12 =	simm.s32 $0x200;
	[sflag:s21] =	ssyncadd.s32 $0xFFFFC000  }
0x7d: {  	[tilespmem:s15], [sflag:$0x1] =	stream.indirect.gather [hbm4b:s2+s18], $0x80, s12, s18, $0xb8;
	[tilespmem:$0x1CC00] =	vst v63  }
0x7e: {  	s11 =	simm.s32 $0x980  }
0x7f: {  	[spmem:s3] =	stream.indirect.scatter.add.f32 [tilespmem:s20], [sflag:$0x3], $0x80, s11, s18, $0xb8;
	[tilespmem:$0x1CC00] =	vst v63  }
0x80: {  	_ =	swait.ge [sflag:s16], $0x4000  }
0x81: {  	[sflag:s16] =	ssyncset.done $0x0  }
0x82: {  	[sflag:s16] =	ssyncadd.s32 $0xFFFFC000  }
0x83: {  	_ =	swait.ge [sflag:s19], $0x4000  }
0x84: {  	[sflag:s19] =	ssyncset.done $0x0  }
0x85: {  	s12 =	simm.s32 $0x280;
	[sflag:s19] =	ssyncadd.s32 $0xFFFFC000  }
0x86: {  	[tilespmem:s20], [sflag:$0x2] =	stream.indirect.gather [hbm4b:s2+s18], $0x80, s12, s18, $0xb8;
	[tilespmem:$0x1CC00] =	vst v63  }
0x87: {  	s11 =	simm.s32 $0xA00  }
0x88: {  	[spmem:s3] =	stream.indirect.scatter.add.f32 [tilespmem:s15], [sflag:$0x3], $0x80, s11, s18, $0xb8;
	[tilespmem:$0x1CC00] =	vst v63  }
0x89: {  	_ =	swait.ge [sflag:s16], $0x4000  }
0x8a: {  	[sflag:s16] =	ssyncset.done $0x0  }
0x8b: {  	[sflag:s16] =	ssyncadd.s32 $0xFFFFC000  }
0x8c: {  	_ =	swait.ge [sflag:s21], $0x4000  }
0x8d: {  	[sflag:s21] =	ssyncset.done $0x0  }
0x8e: {  	s12 =	simm.s32 $0x300;
	[sflag:s21] =	ssyncadd.s32 $0xFFFFC000  }
0x8f: {  	[tilespmem:s15], [sflag:$0x1] =	stream.indirect.gather [hbm4b:s2+s18], $0x80, s12, s18, $0xb8;
	[tilespmem:$0x1CC00] =	vst v63  }
0x90: {  	s11 =	simm.s32 $0xA80  }
0x91: {  	[spmem:s3] =	stream.indirect.scatter.add.f32 [tilespmem:s20], [sflag:$0x3], $0x80, s11, s18, $0xb8;
	[tilespmem:$0x1CC00] =	vst v63  }
0x92: {  	_ =	swait.ge [sflag:s16], $0x4000  }
0x93: {  	[sflag:s16] =	ssyncset.done $0x0  }
0x94: {  	[sflag:s16] =	ssyncadd.s32 $0xFFFFC000  }
0x95: {  	_ =	swait.ge [sflag:s19], $0x4000  }
0x96: {  	[sflag:s19] =	ssyncset.done $0x0  }
0x97: {  	s12 =	simm.s32 $0x380;
	[sflag:s19] =	ssyncadd.s32 $0xFFFFC000  }
0x98: {  	[tilespmem:s20], [sflag:$0x2] =	stream.indirect.gather [hbm4b:s2+s18], $0x80, s12, s18, $0xb8;
	[tilespmem:$0x1CC00] =	vst v63  }
0x99: {  	s11 =	simm.s32 $0xB00  }
0x9a: {  	[spmem:s3] =	stream.indirect.scatter.add.f32 [tilespmem:s15], [sflag:$0x3], $0x80, s11, s18, $0xb8;
	[tilespmem:$0x1CC00] =	vst v63  }
0x9b: {  	_ =	swait.ge [sflag:s16], $0x4000  }
0x9c: {  	[sflag:s16] =	ssyncset.done $0x0  }
0x9d: {  	[sflag:s16] =	ssyncadd.s32 $0xFFFFC000  }
0x9e: {  	_ =	swait.ge [sflag:s21], $0x4000  }
0x9f: {  	[sflag:s21] =	ssyncset.done $0x0  }
0xa0: {  	s12 =	simm.s32 $0x400;
	[sflag:s21] =	ssyncadd.s32 $0xFFFFC000  }
0xa1: {  	[tilespmem:s15], [sflag:$0x1] =	stream.indirect.gather [hbm4b:s2+s18], $0x80, s12, s18, $0xb8;
	[tilespmem:$0x1CC00] =	vst v63  }
0xa2: {  	s11 =	simm.s32 $0xB80  }
0xa3: {  	[spmem:s3] =	stream.indirect.scatter.add.f32 [tilespmem:s20], [sflag:$0x3], $0x80, s11, s18, $0xb8;
	[tilespmem:$0x1CC00] =	vst v63  }
0xa4: {  	_ =	swait.ge [sflag:s16], $0x4000  }
0xa5: {  	[sflag:s16] =	ssyncset.done $0x0  }
0xa6: {  	[sflag:s16] =	ssyncadd.s32 $0xFFFFC000  }
0xa7: {  	_ =	swait.ge [sflag:s19], $0x4000  }
0xa8: {  	[sflag:s19] =	ssyncset.done $0x0  }
0xa9: {  	s12 =	simm.s32 $0x480;
	[sflag:s19] =	ssyncadd.s32 $0xFFFFC000  }
0xaa: {  	[tilespmem:s20], [sflag:$0x2] =	stream.indirect.gather [hbm4b:s2+s18], $0x80, s12, s18, $0xb8;
	[tilespmem:$0x1CC00] =	vst v63  }
0xab: {  	_ = 	snop  }
0xac: {  	[spmem:s3] =	stream.indirect.scatter.add.f32 [tilespmem:s15], [sflag:$0x3], $0x80, s13, s18, $0xb8;
	[tilespmem:$0x1CC00] =	vst v63  }
0xad: {  	_ =	swait.ge [sflag:s16], $0x4000  }
0xae: {  	[sflag:s16] =	ssyncset.done $0x0  }
0xaf: {  	[sflag:s16] =	ssyncadd.s32 $0xFFFFC000  }
0xb0: {  	_ =	swait.ge [sflag:s21], $0x4000  }
0xb1: {  	[sflag:s21] =	ssyncset.done $0x0  }
0xb2: {  	[sflag:s21] =	ssyncadd.s32 $0xFFFFC000  }
0xb3: {  	[tilespmem:s15], [sflag:$0x1] =	stream.indirect.gather [hbm4b:s2+s18], $0x80, s14, s18, $0xb8;
	[tilespmem:$0x1CC00] =	vst v63  }
0xb4: {  	_ = 	snop  }
0xb5: {  	[spmem:s3] =	stream.indirect.scatter.add.f32 [tilespmem:s20], [sflag:$0x3], $0x80, s7, s18, $0xb8;
	[tilespmem:$0x1CC00] =	vst v63  }
0xb6: {  	_ =	swait.ge [sflag:s16], $0x4000  }
0xb7: {  	[sflag:s16] =	ssyncset.done $0x0  }
0xb8: {  	[sflag:s16] =	ssyncadd.s32 $0xFFFFC000  }
0xb9: {  	_ =	swait.ge [sflag:s19], $0x4000  }
0xba: {  	[sflag:s19] =	ssyncset.done $0x0  }
0xbb: {  	[sflag:s19] =	ssyncadd.s32 $0xFFFFC000  }
0xbc: {  	[tilespmem:s20], [sflag:$0x2] =	stream.indirect.gather [hbm4b:s2+s18], $0x80, s4, s18, $0xb8;
	[tilespmem:$0x1CC00] =	vst v63  }
0xbd: {  	_ = 	snop  }
0xbe: {  	[spmem:s3] =	stream.indirect.scatter.add.f32 [tilespmem:s15], [sflag:$0x3], $0x80, s22, s18, $0xb8;
	[tilespmem:$0x1CC00] =	vst v63  }
0xbf: {  	_ =	swait.ge [sflag:s16], $0x4000  }
0xc0: {  	[sflag:s16] =	ssyncset.done $0x0  }
0xc1: {  	[sflag:s16] =	ssyncadd.s32 $0xFFFFC000  }
0xc2: {  	_ =	swait.ge [sflag:s21], $0x4000  }
0xc3: {  	[sflag:s21] =	ssyncset.done $0x0  }
0xc4: {  	[sflag:s21] =	ssyncadd.s32 $0xFFFFC000  }
0xc5: {  	[tilespmem:s15], [sflag:$0x1] =	stream.indirect.gather [hbm4b:s2+s18], $0x80, s23, s18, $0xb8;
	[tilespmem:$0x1CC00] =	vst v63  }
0xc6: {  	_ = 	snop  }
0xc7: {  	[spmem:s3] =	stream.indirect.scatter.add.f32 [tilespmem:s20], [sflag:$0x3], $0x80, s24, s18, $0xb8;
	[tilespmem:$0x1CC00] =	vst v63  }
0xc8: {  	_ =	swait.ge [sflag:s16], $0x4000  }
0xc9: {  	[sflag:s16] =	ssyncset.done $0x0  }
0xca: {  	[sflag:s16] =	ssyncadd.s32 $0xFFFFC000  }
0xcb: {  	_ =	swait.ge [sflag:s19], $0x4000  }
0xcc: {  	[sflag:s19] =	ssyncset.done $0x0  }
0xcd: {  	[sflag:s19] =	ssyncadd.s32 $0xFFFFC000  }
0xce: {  	[tilespmem:s20], [sflag:$0x2] =	stream.indirect.gather [hbm4b:s2+s18], $0x80, s25, s18, $0xb8;
	[tilespmem:$0x1CC00] =	vst v63  }
0xcf: {  	_ = 	snop  }
0xd0: {  	[spmem:s3] =	stream.indirect.scatter.add.f32 [tilespmem:s15], [sflag:$0x3], $0x80, s26, s18, $0xb8;
	[tilespmem:$0x1CC00] =	vst v63  }
0xd1: {  	_ =	swait.ge [sflag:s16], $0x4000  }
0xd2: {  	[sflag:s16] =	ssyncset.done $0x0  }
0xd3: {  	[sflag:s16] =	ssyncadd.s32 $0xFFFFC000  }
0xd4: {  	_ =	swait.ge [sflag:s21], $0x4000  }
0xd5: {  	[sflag:s21] =	ssyncset.done $0x0  }
0xd6: {  	[sflag:s21] =	ssyncadd.s32 $0xFFFFC000  }
0xd7: {  	[tilespmem:s15], [sflag:$0x1] =	stream.indirect.gather [hbm4b:s2+s18], $0x80, s28, s18, $0xb8;
	[tilespmem:$0x1CC00] =	vst v63  }
0xd8: {  	_ = 	snop  }
0xd9: {  	[spmem:s3] =	stream.indirect.scatter.add.f32 [tilespmem:s20], [sflag:$0x3], $0x80, s29, s18, $0xb8;
	[tilespmem:$0x1CC00] =	vst v63  }
0xda: {  	_ =	swait.ge [sflag:s16], $0x4000  }
0xdb: {  	[sflag:s16] =	ssyncset.done $0x0  }
0xdc: {  	[sflag:s16] =	ssyncadd.s32 $0xFFFFC000  }
0xdd: {  	_ =	swait.ge [sflag:s19], $0x4000  }
0xde: {  	[sflag:s19] =	ssyncset.done $0x0  }
0xdf: {  	[sflag:s19] =	ssyncadd.s32 $0xFFFFC000  }
0xe0: {  	[tilespmem:s20], [sflag:$0x2] =	stream.indirect.gather [hbm4b:s2+s18], $0x80, s30, s18, $0xb8;
	[tilespmem:$0x1CC00] =	vst v63  }
0xe1: {  	_ = 	snop  }
0xe2: {  	[spmem:s3] =	stream.indirect.scatter.add.f32 [tilespmem:s15], [sflag:$0x3], $0x80, s31, s18, $0xb8;
	[tilespmem:$0x1CC00] =	vst v63  }
0xe3: {  	_ =	swait.ge [sflag:s16], $0x4000  }
0xe4: {  	[sflag:s16] =	ssyncset.done $0x0  }
0xe5: {  	[sflag:s16] =	ssyncadd.s32 $0xFFFFC000  }
0xe6: {  	s8 =	sadd.s32 $0x1, s8;
	_ =	swait.ge [sflag:s21], $0x4000  }
0xe7: {  	p0 =	sne.s32 s8, $0x5;
	[sflag:s21] =	ssyncset.done $0x0  }
.Ltmp2:
0xe8: {  	[sflag:s21] =	ssyncadd.s32 $0xFFFFC000;
	(pc) =	sbr.rel @p0 .LBB2_4-.Ltmp2, $4  }
0xe9: {  	[spmem:s3] =	stream.indirect.scatter.add.f32 [tilespmem:s20], [sflag:$0x3], $0x80, s0, s18, $0xb8;
	[tilespmem:$0x1CC00] =	vst v63  }
0xea: {  	_ =	swait.ge [sflag:s16], $0x4000  }
0xeb: {  	[sflag:s16] =	ssyncset.done $0x0  }
0xec: {  	[sflag:s16] =	ssyncadd.s32 $0xFFFFC000  }
0xed: {  	s1 =	stileid.u32;
	[bflag:$0x0] =	sbarrier.arrive $0xFFFF  }
0xee: {  	s1 =	sshll.u32 s1, $0x6;
	s10 =	rddreg [dreg:$0x4]  }
0xef: {  	s11 =	rddreg [dreg:$0x6];
	s1 =	sor.u32 $0x1C03, s1;
	s8 =	sshrl.u32 s10, $0x3  }
0xf0: {  	[hbm:s11], [sflag:s1] =	dma.local [spmem:s8], $0x2780  }
0xf1: {  	_ =	swait.ge [sflag:s16], $0x2780  }
0xf2: {  	s11 =	rddreg [dreg:$0xb]  }
0xf3: {  	s12 =	rddreg [dreg:$0x7];
	s8 =	sadd.s32 $0x1, s11  }
0xf4: {  	p0 =	sne.s32 s8, s12  }
.Ltmp3:
0xf5: {  	_ = 	snop;
	(pc) =	sbr.rel @p0 .LBB2_1-.Ltmp3, $3  }
0xf6: {  	_ =	sdelay $0x1  }
0xf7: {  	[sflag:s16] =	ssyncset.done $0x0  }
0xf8: {  	[sflag:s16] =	ssyncadd.s32 $0xFFFFD880  }
0xf9: {  	_ =	sfence.sel $0x180000  }
0xfa: {  	[bflag:$0x0] =	sbarrier.arrive $0xFFFF  }
0xfb: {  	_ =	strace $0x9000004A  }
0xfc: {  	s0 =	stileid.u32;
	[bflag:$0x2] =	sbarrier.arrive $0xFFFF  }
0xfd: {  	p0 =	sne.s32 s0, $0x0;
	s0 =	rddreg [dreg:$0x3]  }
0xfe: {  	s0 =	sadd.s32 @!p0 $0x100000, s0  }
0xff: {  	[sflag:s0] =	ssyncadd.tile.s32 @!p0 $0x1;
	_ =	shalt  }
.Lfunc_end2:
_tile_overlayer_lowered:
.L_overlay_start_2:
0x100: {  	(tag) =	ssettag $0x2  }
0x101: {  	s0 =	rddreg [dreg:$0x0];
	s2 =	stileid.u32  }
0x102: {  	s1 =	rddreg [dreg:$0x1];
	p0 =	sne.s32 s2, $0x0  }
0x103: {  	s3 =	rddreg [dreg:$0x2];
	[bflag:$0x3] =	sbarrier.arrive $0xFFFF;
	s2 =	simm.s32 @!p0 $0x1C03  }
0x104: {  	[timem:s3], [sflag:s2] =	dma.local @!p0 [hbm:s0], s1  }
0x105: {  	s0 =	simm.s32 @!p0 $0x3  }
0x106: {  	_ =	swait.ge @!p0 [sflag:s0], s1  }
0x107: {  	s1 =	ssub.s32 @!p0 $0x0, s1;
	[sflag:s0] =	ssyncset.done @!p0 $0x0  }
0x108: {  	[sflag:s0] =	ssyncadd.s32 @!p0 s1  }
0x109: {  	[bflag:$0x3] =	sbarrier.arrive $0xFFFF  }
0x10a: {  	_ =	shalt  }

// kernel: kernel.14.cloned.1.call-start
scs
__scs_entry_jumppad:
0x0: {  	(pc) =	sbr.rel $0x88, $3  }
0x1: {  	(tag) =	ssettag $0x0;
	lr =	simm.s32 $0x1  }
0x2: {  	[smem:$0x3F9B] =	sst lr;
	_ =	strace $0xD0000000  }
0x3: {  	_ = 	snop  }
0x4: {  	_ = 	snop  }
0x5: {  	_ = 	snop  }
0x6: {  	_ = 	snop  }
0x7: {  	_ = 	snop  }
__scs_overlays_trampoline_lowered:
0x8: {  	[smem:$0x3FAA] =	sst s0  }
0x9: {  	[smem:$0x3FAB] =	sst s1  }
0xa: {  	[smem:$0x3FAC] =	sst s2  }
0xb: {  	[smem:$0x3FAD] =	sst s3  }
0xc: {  	[smem:$0x3FAE] =	sst s4  }
0xd: {  	[smem:$0x3FAF] =	sst s5  }
0xe: {  	[smem:$0x3FB0] =	sst s6  }
0xf: {  	[smem:$0x3FB1] =	sst s7  }
0x10: {  	[smem:$0x3FB2] =	sst s8  }
0x11: {  	[smem:$0x3FB3] =	sst s9;
	s0 =	simm.s32 @!p0 $0x0  }
0x12: {  	s1 =	sld [smem:$0x3F99];
	s0 =	simm.s32 @p0 $0x1  }
0x13: {  	[smem:$0x3FB4] =	sst s0;
	s0 =	simm.s32 @!p1 $0x0  }
0x14: {  	s2 =	sld [smem:$0x3F98];
	s0 =	simm.s32 @p1 $0x1  }
0x15: {  	[smem:$0x3FB5] =	sst s0;
	s0 =	simm.s32 @!p2 $0x0  }
0x16: {  	s3 =	sld [smem:$0x3FDB];
	s0 =	simm.s32 @p2 $0x1  }
0x17: {  	s4 =	simm.s32 $0x1BF5;
	[smem:$0x3FB7] =	sst s0  }
0x18: {  	s0 =	sld [smem:$0x3F9A];
	_ =	swait.ge [sflag:s4], $0x0  }
0x19: {  	s7 =	sld [smem:$0x3F9B]  }
0x1a: {  	s8 =	sadd.s32 $0xFFFFE003, lr  }
0x1b: {  	s9 =	sadd.s32 $0xFFFFFEF7, lr;
	s5 =	simm.s32 $0xFFFFFFFF;
	p2 =	slt.u32 s8, $0xFFFFF086  }
0x1c: {  	p1 =	slt.u32 s9, $0xF7A;
	s5 =	simm.s32 @!p2 $0x0  }
0x1d: {  	s5 =	simm.s32 @p1 $0x1;
	p0 =	seq.s32 s7, s2  }
0x1e: {  	s7 =	smul.u32 @!p0 $0xF7A, s2;
	p2 =	seq.s32 @!p0 s5, $0x0  }
0x1f: {  	s9 =	smul.u32 $0xF7A, s1;
	s8 =	simm.s32 @!p0 $0x1BF5;
	p2 =	por !p2, p0  }
0x20: {  	[sflag:s8] =	ssyncset.s32 @!p0 $0xFFFFF086;
	s6 =	sadd.s32 @!p0 s3, s7;
	s7 =	simm.s32 @!p0 $0x108  }
0x21: {  	s3 =	sadd.s32 s3, s9;
	s6 =	sadd.s32 @!p0 $0x88, s6;
	s7 =	simm.s32 @p2 $0x1082  }
0x22: {  	[simem:s7], [sflag:s8] =	dma.local @!p0 [hbm:s6], $0xF7A  }
0x23: {  	s9 =	sor.u32 $0xD0000000, s2;
	s6 =	simm.s32 $0x108;
	_ =	swait.ge @!p0 [sflag:s8], $0x0  }
0x24: {  	s3 =	sadd.s32 $0x88, s3;
	s6 =	simm.s32 @!p1 $0x1082;
	[sflag:s4] =	ssyncset.s32 $0xFFFFF086  }
0x25: {  	[simem:s6], [sflag:s4] =	dma.local [hbm:s3], $0xF7A  }
0x26: {  	[smem:$0x3F9B] =	sst s1;
	(tag) =	ssettag s2;
	_ =	strace s9  }
0x27: {  	s1 =	sld [smem:$0x3FAB]  }
0x28: {  	s2 =	sld [smem:$0x3FAC]  }
0x29: {  	s4 =	sld [smem:$0x3FAE]  }
0x2a: {  	p0 =	seq.s32 s5, $0x0;
	s5 =	sld [smem:$0x3FAF]  }
0x2b: {  	s6 =	sld [smem:$0x3FB0]  }
0x2c: {  	s7 =	sld [smem:$0x3FB1]  }
0x2d: {  	s3 =	simm.s32 $0x108;
	s8 =	sld [smem:$0x3FB2]  }
0x2e: {  	s3 =	simm.s32 @!p0 $0x1082;
	s9 =	sld [smem:$0x3FB3]  }
0x2f: {  	lr =	sadd.s32 s0, s3;
	s0 =	sld [smem:$0x3FAA]  }
0x30: {  	s3 =	sld [smem:$0x3FAD]  }
0x31: {  	[smem:$0x3FB6] =	sst s10  }
0x32: {  	s10 =	sld [smem:$0x3FB4];
	_ =	sdelay $0x3  }
0x33: {  	p0 =	seq.s32 s10, $0x1;
	s10 =	sld [smem:$0x3FB6];
	_ =	sdelay $0x3  }
0x34: {  	[smem:$0x3FB6] =	sst s10  }
0x35: {  	s10 =	sld [smem:$0x3FB5];
	_ =	sdelay $0x3  }
0x36: {  	p1 =	seq.s32 s10, $0x1;
	s10 =	sld [smem:$0x3FB6];
	_ =	sdelay $0x3  }
0x37: {  	[smem:$0x3FB6] =	sst s10  }
0x38: {  	s10 =	sld [smem:$0x3FB7]  }
0x39: {  	_ = 	snop;
	(pc) =	sbr.ind lr, $3  }
0x3a: {  	_ = 	snop  }
0x3b: {  	_ = 	snop  }
0x3c: {  	p2 =	seq.s32 s10, $0x1;
	s10 =	sld [smem:$0x3FB6]  }
0x3d: {  	_ =	shalt  }
0x3e: {  	_ =	shalt  }
0x3f: {  	_ =	shalt  }
0x40: {  	_ =	shalt  }
0x41: {  	_ =	shalt  }
0x42: {  	_ =	shalt  }
0x43: {  	_ =	shalt  }
0x44: {  	_ =	shalt  }
0x45: {  	_ =	shalt  }
0x46: {  	_ =	shalt  }
0x47: {  	_ =	shalt  }
0x48: {  	_ =	shalt  }
0x49: {  	_ =	shalt  }
0x4a: {  	_ =	shalt  }
0x4b: {  	_ =	shalt  }
0x4c: {  	_ =	shalt  }
0x4d: {  	_ =	shalt  }
0x4e: {  	_ =	shalt  }
0x4f: {  	_ =	shalt  }
0x50: {  	_ =	shalt  }
0x51: {  	_ =	shalt  }
0x52: {  	_ =	shalt  }
0x53: {  	_ =	shalt  }
0x54: {  	_ =	shalt  }
0x55: {  	_ =	shalt  }
0x56: {  	_ =	shalt  }
0x57: {  	_ =	shalt  }
0x58: {  	_ =	shalt  }
0x59: {  	_ =	shalt  }
0x5a: {  	_ =	shalt  }
0x5b: {  	_ =	shalt  }
0x5c: {  	_ =	shalt  }
0x5d: {  	_ =	shalt  }
0x5e: {  	_ =	shalt  }
0x5f: {  	_ =	shalt  }
0x60: {  	_ =	shalt  }
0x61: {  	_ =	shalt  }
0x62: {  	_ =	shalt  }
0x63: {  	_ =	shalt  }
0x64: {  	_ =	shalt  }
0x65: {  	_ =	shalt  }
0x66: {  	_ =	shalt  }
0x67: {  	_ =	shalt  }
0x68: {  	_ =	shalt  }
0x69: {  	_ =	shalt  }
0x6a: {  	_ =	shalt  }
0x6b: {  	_ =	shalt  }
0x6c: {  	_ =	shalt  }
0x6d: {  	_ =	shalt  }
0x6e: {  	_ =	shalt  }
0x6f: {  	_ =	shalt  }
0x70: {  	_ =	shalt  }
0x71: {  	_ =	shalt  }
0x72: {  	_ =	shalt  }
0x73: {  	_ =	shalt  }
0x74: {  	_ =	shalt  }
0x75: {  	_ =	shalt  }
0x76: {  	_ =	shalt  }
0x77: {  	_ =	shalt  }
0x78: {  	_ =	shalt  }
0x79: {  	_ =	shalt  }
0x7a: {  	_ =	shalt  }
0x7b: {  	_ =	shalt  }
0x7c: {  	_ =	shalt  }
0x7d: {  	_ =	shalt  }
0x7e: {  	_ =	shalt  }
0x7f: {  	_ =	shalt  }
0x80: {  	_ =	shalt  }
0x81: {  	_ =	shalt  }
0x82: {  	_ =	shalt  }
0x83: {  	_ =	shalt  }
0x84: {  	_ =	shalt  }
0x85: {  	_ =	shalt  }
0x86: {  	_ =	shalt  }
0x87: {  	_ =	shalt  }
.Lfunc_end0:
.L_simem_size_0:
called_computation.2_lowered:
.L_overlay_start_0:
0x88: {  	s2 =	sld [smem:$0x3FD9]  }
0x89: {  	s3 =	sld [smem:$0x3FFE];
	_ =	sdelay $0x1  }
0x8a: {  	s1 =	srdreg.scid  }
0x8b: {  	s0 =	sand.u32 $0x1, s1  }
0x8c: {  	s14 =	sshll.u32 s0, $0xA;
	s2 =	sadd.s32 s3, s2  }
0x8d: {  	s2 =	sadd.s32 s2, s14  }
0x8e: {  	[smem:$0x3FC2] =	sst s2  }
0x8f: {  	_ = 	snop  }
0x90: {  	s2 =	sld [smem:$0x3FD0];
	_ =	sdelay $0x2  }
0x91: {  	s15 =	simm.s32 $0xA;
	s4 =	simm.s32 $0x10  }
0x92: {  	[smem:s4], [sflag:s15] =	dma.local [hbm:s2], $0x1  }
0x93: {  	_ =	swait.eq [sflag:s15], $0x1  }
0x94: {  	[sflag:s15] =	ssyncset.done $0x0  }
0x95: {  	[sflag:s15] =	ssyncadd.s32 $0xFFFFFFFF  }
0x96: {  	s16 =	sld [smem:$0x10];
	(tm) =	ssettm $0x1  }
0x97: {  	s17 =	sld [smem:$0x3FFB];
	_ =	sdelay $0x3  }
0x98: {  	_ =	strace s17  }
0x99: {  	s3 =	sld [smem:$0x3FFC];
	_ =	sdelay $0x3  }
0x9a: {  	_ =	strace s3  }
0x9b: {  	s3 =	sld [smem:$0x3FFD];
	_ =	sdelay $0x3  }
0x9c: {  	_ =	strace s3  }
0x9d: {  	_ =	strace $0x8FFFFFFF  }
0x9e: {  	s18 =	sld [smem:$0x3FDB];
	_ =	sdelay $0x1  }
0x9f: {  	s19 =	simm.s32 $_scs_section_size  }
0xa0: {  	s5 =	simm.s32 $_size__tile_overlayer_lowered;
	s6 =	simm.s32 $_tile_overlayer_lowered  }
0xa1: {  	s22 =	simm.s32 $0x1BFF;
	s21 =	sshll.u32 s6, $0x1;
	s3 =	sadd.s32 s19, s18  }
0xa2: {  	s7 =	simm.s32 $0x0;
	s20 =	sshll.u32 s5, $0x1;
	s5 =	sadd.s32 s21, s3  }
0xa3: {  	[timem:s7], [sflag:s22] =	dma.local [hbm:s5], s20  }
0xa4: {  	_ =	swait.ge [sflag:s22], s20  }
0xa5: {  	s4 =	ssub.s32 $0x0, s20;
	[sflag:s22] =	ssyncset.done $0x0  }
0xa6: {  	[sflag:s22] =	ssyncadd.s32 s4;
	_ =	sdelay $0x1  }
0xa7: {  	s23 =	simm.s32 $0x1B8B  }
0xa8: {  	_ =	swait.ge [sflag:s23], $0x1  }
0xa9: {  	[sflag:s23] =	ssyncset.done $0x0  }
0xaa: {  	s25 =	simm.s32 $0x1B8E;
	s24 =	sld [smem:$0x3FFE];
	[sflag:s23] =	ssyncadd.s32 $0xFFFFFFFF  }
0xab: {  	s26 =	simm.s32 $execute0_lowered;
	[smem:$0x3FD2] =	sst s25  }
0xac: {  	s5 =	sshll.u32 s26, $0x1;
	_ =	strace $0x8000004C;
	[dreg:$0x1] =	wrdreg $0xFFFFFFFF  }
0xad: {  	s28 =	simm.s32 $_size_execute0_lowered;
	s3 =	sadd.s32 s3, s5;
	[dreg:$0x0] =	wrdreg $0x0  }
0xae: {  	s5 =	sshll.u32 s28, $0x1;
	[dreg:$0x2] =	wrdreg s3  }
0xaf: {  	[dreg:$0x3] =	wrdreg s5  }
0xb0: {  	[dreg:$0x4] =	wrdreg $0xC0  }
0xb1: {  	_ =	task [dreg:s7], $0x5FFFF  }
0xb2: {  	[dreg:$0x1] =	wrdreg $0xFFFFFFFF  }
0xb3: {  	[dreg:$0x0] =	wrdreg $0x60  }
0xb4: {  	[dreg:$0x2] =	wrdreg s24  }
0xb5: {  	[dreg:$0x3] =	wrdreg s16  }
0xb6: {  	[dreg:$0x4] =	wrdreg $0x90000  }
0xb7: {  	[dreg:$0x5] =	wrdreg $0x9  }
0xb8: {  	_ =	task.clear_ibuf [dreg:s7], $0x6FFFF;
	_ =	strace $0x9000004C  }
0xb9: {  	s29 =	simm.s32 $0x9;
	_ =	strace $0x8000004E  }
0xba: {  	_ =	swait.ge [sflag:s29], $0x1  }
0xbb: {  	[sflag:s29] =	ssyncadd.s32 $0xFFFFFFFF  }
0xbc: {  	_ =	strace $0x9000004E  }
0xbd: {  	_ =	sfence  }
0xbe: {  	s30 =	sld [smem:$0x0];
	_ =	sdelay $0x2  }
0xbf: {  	s31 =	sshll.u32 s1, $0xD;
	s1 =	sshrl.u32 s1, $0x2  }
0xc0: {  	s3 =	sand.u32 $0x4000, s31;
	s1 =	sadd.s32 s1, s30  }
0xc1: {  	s0 =	sor.u32 s3, s0;
	s1 =	sshll.u32 s1, $0x11  }
0xc2: {  	s0 =	sor.u32 s1, s0  }
0xc3: {  	s0 =	sadd.s32 $0x8F2B, s0  }
0xc4: {  	[sflag:s0] =	ssyncadd.remote.s32 $0x1  }
0xc5: {  	_ =	sfence.sel $0xFFFF  }
0xc6: {  	[dreg:$0x0] =	wrdreg $0xFFFFFFFF;
	(pc) =	sbr.abs _section_cstart, $3  }
0xc7: {  	[dreg:$0x1] =	wrdreg $0xFFFFFFFF  }
0xc8: {  	_ =	task.clear_ibuf [dreg:s7], $0x2FFFF;
	_ =	strace $0x9FFFFFFF  }
0xc9: {  	(tm) =	ssettm $0x7FFFFFFF  }
tec
execute0_lowered:
.L_overlay_start_1:
0x0: {  	(tag) =	ssettag $0x1  }
0x1: {  	s0 =	rddreg [dreg:$0x0]  }
0x2: {  	s2 =	rddreg [dreg:$0x1]  }
0x3: {  	s3 =	rddreg [dreg:$0x2];
	s1 =	srdreg.scid  }
0x4: {  	s9 =	stileid.u32;
	s5 =	simm.s32 $0x0;
	s15 =	simm.s32 $0x1000  }
0x5: {  	s16 =	simm.s32 $0x3;
	s17 =	simm.s32 $0x800;
	s18 =	simm.s32 $0x80  }
0x6: {  	s19 =	simm.s32 $0x1;
	s13 =	simm.s32 $0xC00;
	s14 =	simm.s32 $0x500  }
0x7: {  	s28 =	simm.s32 $0x700;
	s29 =	simm.s32 $0xE80;
	s4 =	smul.u32 $0x2780, s9  }
0x8: {  	s30 =	simm.s32 $0x780;
	s31 =	simm.s32 $0xF00;
	s8 =	smul.u32 $0x4F000, s9  }
0x9: {  	s1 =	sand.u32 $0x1, s1;
	[smem:$0x7FF] =	sst s5;
	s9 =	smul.u32 $0x2800, s9  }
0xa: {  	s5 =	sadd.s32 $0x56400, s0;
	s6 =	sadd.s32 $0x2400, s0;
	s7 =	smul.u32 $0x27800, s1  }
0xb: {  	_ =	strace $0x8000004D;
	s20 =	ssub.s32 $0x2, s1;
	s1 =	smul.u32 $0x2710, s1  }
0xc: {  	s21 =	sshrl.u32 s8, $0x2;
	s22 =	sshrl.u32 s20, $0x1;
	s8 =	simm.s32 $0x0  }
0xd: {  	s4 =	sadd.s32 s4, s7;
	s10 =	sadd.s32 s21, s3;
	s21 =	simm.s32 $0x2  }
0xe: {  	s0 =	sadd.s32 s4, s0;
	s7 =	sadd.s32 $0x10000, s10;
	[dreg:$0x4] =	wrdreg s10  }
0xf: {  	s4 =	ssub.s32 s20, s22;
	s24 =	sadd.s32 $0x4000, s10;
	[dreg:$0x5] =	wrdreg s7  }
0x10: {  	s25 =	sadd.s32 $0x8000, s10;
	s26 =	sadd.s32 $0xC000, s10;
	[dreg:$0x8] =	wrdreg s24  }
0x11: {  	s20 =	simm.s32 $0x5000;
	s22 =	simm.s32 $0xD00;
	[dreg:$0x9] =	wrdreg s25  }
0x12: {  	s0 =	sadd.s32 $0x5B400, s0;
	s23 =	smax.u32 s4, $0x1;
	[dreg:$0xa] =	wrdreg s26  }
0x13: {  	s7 =	simm.s32 $0xC80;
	s4 =	simm.s32 $0x580;
	s24 =	simm.s32 $0xD80  }
0x14: {  	s25 =	simm.s32 $0x680;
	s26 =	simm.s32 $0xE00;
	[dreg:$0x6] =	wrdreg s0  }
0x15: {  	v1 =	vimm.f32 $0.0e+00;
	v0 =	vmov s1;
	[dreg:$0x7] =	wrdreg s23;
	s23 =	simm.s32 $0x600;
	s0 =	simm.s32 $0xF80  }
.LBB2_1:
0x16: {  	[dreg:$0xb] =	wrdreg s8;
	s1 =	simm.s32 $0x0;
	s8 =	simm.s32 $0x200  }
.LBB2_2:
0x17: {  	p0 =	sne.s32 s8, $0xFE00;
	[tilespmem:s1+$0x1070] =	vst v1  }
0x18: {  	[tilespmem:s1+$0x1000] =	vst v1  }
0x19: {  	[tilespmem:s1+$0x1010] =	vst v1  }
.Ltmp0:
0x1a: {  	[tilespmem:s1+$0x1020] =	vst v1;
	(pc) =	sbr.rel @p0 .LBB2_2-.Ltmp0, $4  }
0x1b: {  	[tilespmem:s1+$0x1030] =	vst v1  }
0x1c: {  	[tilespmem:s1+$0x1040] =	vst v1  }
0x1d: {  	[tilespmem:s1+$0x1050] =	vst v1  }
0x1e: {  	[tilespmem:s1+$0x1060] =	vst v1;
	s1 =	sshra.s32 s8, $0x2;
	s8 =	sadd.s32 $0x200, s8  }
0x1f: {  	[tilespmem:s1+$0x1070] =	vst v1  }
0x20: {  	[tilespmem:s1+$0x1000] =	vst v1  }
0x21: {  	[tilespmem:s1+$0x1010] =	vst v1  }
0x22: {  	[tilespmem:s1+$0x1020] =	vst v1  }
0x23: {  	[tilespmem:s1+$0x1030] =	vst v1  }
0x24: {  	[tilespmem:s1+$0x1040] =	vst v1  }
0x25: {  	[tilespmem:s1+$0x1050] =	vst v1  }
0x26: {  	[tilespmem:s1+$0x1060] =	vst v1  }
0x27: {  	[spmem:s10] =	stream.linear.scatter [tilespmem:s15], [sflag:$0x3], $0x4000, $0x38;
	[tilespmem:$0x1CC00] =	vst v63  }
0x28: {  	_ =	swait.ge [sflag:s16], $0x4000  }
0x29: {  	[sflag:s16] =	ssyncset.done $0x0  }
0x2a: {  	s8 =	rddreg [dreg:$0x8];
	[sflag:s16] =	ssyncadd.s32 $0xFFFFC000  }
0x2b: {  	[spmem:s8] =	stream.linear.scatter [tilespmem:s15], [sflag:$0x3], $0x4000, $0x38;
	[tilespmem:$0x1CC00] =	vst v63  }
0x2c: {  	_ =	swait.ge [sflag:s16], $0x4000  }
0x2d: {  	[sflag:s16] =	ssyncset.done $0x0  }
0x2e: {  	s10 =	rddreg [dreg:$0x9];
	[sflag:s16] =	ssyncadd.s32 $0xFFFFC000  }
0x2f: {  	[spmem:s10] =	stream.linear.scatter [tilespmem:s15], [sflag:$0x3], $0x4000, $0x38;
	[tilespmem:$0x1CC00] =	vst v63  }
0x30: {  	_ =	swait.ge [sflag:s16], $0x4000  }
0x31: {  	[sflag:s16] =	ssyncset.done $0x0  }
0x32: {  	s11 =	rddreg [dreg:$0xa];
	[sflag:s16] =	ssyncadd.s32 $0xFFFFC000  }
0x33: {  	[spmem:s11] =	stream.linear.scatter [tilespmem:s15], [sflag:$0x3], $0x4000, $0x38;
	[tilespmem:$0x1CC00] =	vst v63  }
0x34: {  	_ =	swait.ge [sflag:s16], $0x4000  }
0x35: {  	[sflag:s16] =	ssyncset.done $0x0  }
0x36: {  	s12 =	rddreg [dreg:$0x5];
	[sflag:s16] =	ssyncadd.s32 $0xFFFFC000  }
0x37: {  	[spmem:s12] =	stream.linear.scatter [tilespmem:s15], [sflag:$0x3], $0x3C00, $0x38;
	[tilespmem:$0x1CC00] =	vst v63  }
0x38: {  	_ =	swait.ge [sflag:s16], $0x3C00  }
0x39: {  	[sflag:s16] =	ssyncset.done $0x0  }
0x3a: {  	[sflag:s16] =	ssyncadd.s32 $0xFFFFC400  }
0x3b: {  	s1 =	simm.s32 $0x0;
	s8 =	simm.s32 $0x0;
	[bflag:$0x0] =	sbarrier.arrive $0xFFFF  }
.LBB2_4:
0x3c: {  	s10 =	sshll.u32 s8, $0xB  }
0x3d: {  	s10 =	sadd.s32 s9, s10  }
0x3e: {  	s10 =	sshrl.u32 s10, $0x3  }
0x3f: {  	s11 =	sadd.s32 s5, s10  }
0x40: {  	[tilespmem:s1], [sflag:$0x3] =	stream.linear.gather [hbm4b:s11+s1], $0x800, $0x38;
	[tilespmem:$0x1CC00] =	vst v63  }
0x41: {  	_ =	swait.ge [sflag:s16], $0x800  }
0x42: {  	[sflag:s16] =	ssyncset.done $0x0  }
0x43: {  	s10 =	sadd.s32 s6, s10;
	[sflag:s16] =	ssyncadd.s32 $0xFFFFF800  }
0x44: {  	[tilespmem:s17], [sflag:$0x3] =	stream.linear.gather [hbm4b:s10+s1], $0x800, $0x38;
	[tilespmem:$0x1CC00] =	vst v63  }
0x45: {  	_ =	swait.ge [sflag:s16], $0x800  }
0x46: {  	[sflag:s16] =	ssyncset.done $0x0  }
0x47: {  	s10 =	simm.s32 $0x0;
	[sflag:s16] =	ssyncadd.s32 $0xFFFFF800  }
0x48: {  	v4 =	vld [tilespmem:s10+$0x0]  }
0x49: {  	v6 =	vld [tilespmem:s10+$0x10]  }
0x4a: {  	v5 =	vld [tilespmem:s10+$0x20]  }
0x4b: {  	v3 =	vld [tilespmem:s10+$0x30]  }
0x4c: {  	v2 =	vld [tilespmem:s10+$0x40]  }
0x4d: {  	v7 =	vadd.s32 v0, v4;
	v4 =	vld [tilespmem:s10+$0x50]  }
0x4e: {  	s11 =	simm.s32 $0x200;
	[tilespmem:s10+$0x0] =	vst v7;
	v7 =	vadd.s32 v0, v6;
	v6 =	vld [tilespmem:s10+$0x60]  }
.LBB2_5:
0x4f: {  	s12 =	sshra.s32 s11, $0x2;
	p0 =	sne.s32 s11, $0x1E00;
	[tilespmem:s10+$0x10] =	vst v7;
	v5 =	vadd.s32 v0, v5;
	v7 =	vld [tilespmem:s10+$0x70]  }
0x50: {  	v8 =	vld [tilespmem:s12+$0x0];
	[tilespmem:s10+$0x20] =	vst v5;
	v3 =	vadd.s32 v0, v3  }
0x51: {  	v9 =	vld [tilespmem:s12+$0x10];
	[tilespmem:s10+$0x30] =	vst v3;
	v2 =	vadd.s32 v0, v2  }
.Ltmp1:
0x52: {  	v5 =	vld [tilespmem:s12+$0x20];
	[tilespmem:s10+$0x40] =	vst v2;
	v2 =	vadd.s32 v0, v4;
	(pc) =	sbr.rel @p0 .LBB2_5-.Ltmp1, $4  }
0x53: {  	v3 =	vld [tilespmem:s12+$0x30];
	[tilespmem:s10+$0x50] =	vst v2;
	v4 =	vadd.s32 v0, v6  }
0x54: {  	v2 =	vld [tilespmem:s12+$0x40];
	[tilespmem:s10+$0x60] =	vst v4;
	v6 =	vadd.s32 v0, v7  }
0x55: {  	v7 =	vadd.s32 v0, v8;
	v4 =	vld [tilespmem:s12+$0x50];
	[tilespmem:s10+$0x70] =	vst v6;
	s10 =	smov.u32 s12  }
0x56: {  	s11 =	sadd.s32 $0x200, s11;
	[tilespmem:s10+$0x0] =	vst v7;
	v7 =	vadd.s32 v0, v9;
	v6 =	vld [tilespmem:s10+$0x60]  }
0x57: {  	[tilespmem:s10+$0x10] =	vst v7;
	v5 =	vadd.s32 v0, v5;
	v63 =	vld [tilespmem:s10+$0x70]  }
0x58: {  	[tilespmem:s10+$0x20] =	vst v5;
	v3 =	vadd.s32 v0, v3  }
0x59: {  	[tilespmem:s10+$0x30] =	vst v3;
	v2 =	vadd.s32 v0, v2  }
0x5a: {  	[tilespmem:s10+$0x40] =	vst v2;
	v2 =	vadd.s32 v0, v4  }
0x5b: {  	[tilespmem:s10+$0x50] =	vst v2;
	v2 =	vadd.s32 v0, v6  }
0x5c: {  	[tilespmem:s10+$0x60] =	vst v2;
	v2 =	vadd.s32 v0, v63  }
0x5d: {  	s11 =	simm.s32 $0x0;
	[tilespmem:s10+$0x70] =	vst v2  }
0x5e: {  	[tilespmem:s15], [sflag:$0x1] =	stream.indirect.gather [hbm4b:s2+s18], $0x80, s11, s18, $0xb8;
	[tilespmem:$0x1CC00] =	vst v63  }
0x5f: {  	_ =	swait.ge [sflag:s19], $0x4000  }
0x60: {  	[sflag:s19] =	ssyncset.done $0x0  }
0x61: {  	[sflag:s19] =	ssyncadd.s32 $0xFFFFC000  }
0x62: {  	[tilespmem:s20], [sflag:$0x2] =	stream.indirect.gather [hbm4b:s2+s18], $0x80, s18, s18, $0xb8;
	[tilespmem:$0x1CC00] =	vst v63  }
0x63: {  	_ = 	snop  }
0x64: {  	[spmem:s3] =	stream.indirect.scatter.add.f32 [tilespmem:s15], [sflag:$0x3], $0x80, s17, s18, $0xb8;
	[tilespmem:$0x1CC00] =	vst v63  }
0x65: {  	_ =	swait.ge [sflag:s16], $0x4000  }
0x66: {  	[sflag:s16] =	ssyncset.done $0x0  }
0x67: {  	[sflag:s16] =	ssyncadd.s32 $0xFFFFC000  }
0x68: {  	_ =	swait.ge [sflag:s21], $0x4000  }
0x69: {  	[sflag:s21] =	ssyncset.done $0x0  }
0x6a: {  	s12 =	simm.s32 $0x100;
	[sflag:s21] =	ssyncadd.s32 $0xFFFFC000  }
0x6b: {  	[tilespmem:s15], [sflag:$0x1] =	stream.indirect.gather [hbm4b:s2+s18], $0x80, s12, s18, $0xb8;
	[tilespmem:$0x1CC00] =	vst v63  }
0x6c: {  	s11 =	simm.s32 $0x880  }
0x6d: {  	[spmem:s3] =	stream.indirect.scatter.add.f32 [tilespmem:s20], [sflag:$0x3], $0x80, s11, s18, $0xb8;
	[tilespmem:$0x1CC00] =	vst v63  }
0x6e: {  	_ =	swait.ge [sflag:s16], $0x4000  }
0x6f: {  	[sflag:s16] =	ssyncset.done $0x0  }
0x70: {  	[sflag:s16] =	ssyncadd.s32 $0xFFFFC000  }
0x71: {  	_ =	swait.ge [sflag:s19], $0x4000  }
0x72: {  	[sflag:s19] =	ssyncset.done $0x0  }
0x73: {  	s12 =	simm.s32 $0x180;
	[sflag:s19] =	ssyncadd.s32 $0xFFFFC000  }
0x74: {  	[tilespmem:s20], [sflag:$0x2] =	stream.indirect.gather [hbm4b:s2+s18], $0x80, s12, s18, $0xb8;
	[tilespmem:$0x1CC00] =	vst v63  }
0x75: {  	s11 =	simm.s32 $0x900  }
0x76: {  	[spmem:s3] =	stream.indirect.scatter.add.f32 [tilespmem:s15], [sflag:$0x3], $0x80, s11, s18, $0xb8;
	[tilespmem:$0x1CC00] =	vst v63  }
0x77: {  	_ =	swait.ge [sflag:s16], $0x4000  }
0x78: {  	[sflag:s16] =	ssyncset.done $0x0  }
0x79: {  	[sflag:s16] =	ssyncadd.s32 $0xFFFFC000  }
0x7a: {  	_ =	swait.ge [sflag:s21], $0x4000  }
0x7b: {  	[sflag:s21] =	ssyncset.done $0x0  }
0x7c: {  	s12 =	simm.s32 $0x200;
	[sflag:s21] =	ssyncadd.s32 $0xFFFFC000  }
0x7d: {  	[tilespmem:s15], [sflag:$0x1] =	stream.indirect.gather [hbm4b:s2+s18], $0x80, s12, s18, $0xb8;
	[tilespmem:$0x1CC00] =	vst v63  }
0x7e: {  	s11 =	simm.s32 $0x980  }
0x7f: {  	[spmem:s3] =	stream.indirect.scatter.add.f32 [tilespmem:s20], [sflag:$0x3], $0x80, s11, s18, $0xb8;
	[tilespmem:$0x1CC00] =	vst v63  }
0x80: {  	_ =	swait.ge [sflag:s16], $0x4000  }
0x81: {  	[sflag:s16] =	ssyncset.done $0x0  }
0x82: {  	[sflag:s16] =	ssyncadd.s32 $0xFFFFC000  }
0x83: {  	_ =	swait.ge [sflag:s19], $0x4000  }
0x84: {  	[sflag:s19] =	ssyncset.done $0x0  }
0x85: {  	s12 =	simm.s32 $0x280;
	[sflag:s19] =	ssyncadd.s32 $0xFFFFC000  }
0x86: {  	[tilespmem:s20], [sflag:$0x2] =	stream.indirect.gather [hbm4b:s2+s18], $0x80, s12, s18, $0xb8;
	[tilespmem:$0x1CC00] =	vst v63  }
0x87: {  	s11 =	simm.s32 $0xA00  }
0x88: {  	[spmem:s3] =	stream.indirect.scatter.add.f32 [tilespmem:s15], [sflag:$0x3], $0x80, s11, s18, $0xb8;
	[tilespmem:$0x1CC00] =	vst v63  }
0x89: {  	_ =	swait.ge [sflag:s16], $0x4000  }
0x8a: {  	[sflag:s16] =	ssyncset.done $0x0  }
0x8b: {  	[sflag:s16] =	ssyncadd.s32 $0xFFFFC000  }
0x8c: {  	_ =	swait.ge [sflag:s21], $0x4000  }
0x8d: {  	[sflag:s21] =	ssyncset.done $0x0  }
0x8e: {  	s12 =	simm.s32 $0x300;
	[sflag:s21] =	ssyncadd.s32 $0xFFFFC000  }
0x8f: {  	[tilespmem:s15], [sflag:$0x1] =	stream.indirect.gather [hbm4b:s2+s18], $0x80, s12, s18, $0xb8;
	[tilespmem:$0x1CC00] =	vst v63  }
0x90: {  	s11 =	simm.s32 $0xA80  }
0x91: {  	[spmem:s3] =	stream.indirect.scatter.add.f32 [tilespmem:s20], [sflag:$0x3], $0x80, s11, s18, $0xb8;
	[tilespmem:$0x1CC00] =	vst v63  }
0x92: {  	_ =	swait.ge [sflag:s16], $0x4000  }
0x93: {  	[sflag:s16] =	ssyncset.done $0x0  }
0x94: {  	[sflag:s16] =	ssyncadd.s32 $0xFFFFC000  }
0x95: {  	_ =	swait.ge [sflag:s19], $0x4000  }
0x96: {  	[sflag:s19] =	ssyncset.done $0x0  }
0x97: {  	s12 =	simm.s32 $0x380;
	[sflag:s19] =	ssyncadd.s32 $0xFFFFC000  }
0x98: {  	[tilespmem:s20], [sflag:$0x2] =	stream.indirect.gather [hbm4b:s2+s18], $0x80, s12, s18, $0xb8;
	[tilespmem:$0x1CC00] =	vst v63  }
0x99: {  	s11 =	simm.s32 $0xB00  }
0x9a: {  	[spmem:s3] =	stream.indirect.scatter.add.f32 [tilespmem:s15], [sflag:$0x3], $0x80, s11, s18, $0xb8;
	[tilespmem:$0x1CC00] =	vst v63  }
0x9b: {  	_ =	swait.ge [sflag:s16], $0x4000  }
0x9c: {  	[sflag:s16] =	ssyncset.done $0x0  }
0x9d: {  	[sflag:s16] =	ssyncadd.s32 $0xFFFFC000  }
0x9e: {  	_ =	swait.ge [sflag:s21], $0x4000  }
0x9f: {  	[sflag:s21] =	ssyncset.done $0x0  }
0xa0: {  	s12 =	simm.s32 $0x400;
	[sflag:s21] =	ssyncadd.s32 $0xFFFFC000  }
0xa1: {  	[tilespmem:s15], [sflag:$0x1] =	stream.indirect.gather [hbm4b:s2+s18], $0x80, s12, s18, $0xb8;
	[tilespmem:$0x1CC00] =	vst v63  }
0xa2: {  	s11 =	simm.s32 $0xB80  }
0xa3: {  	[spmem:s3] =	stream.indirect.scatter.add.f32 [tilespmem:s20], [sflag:$0x3], $0x80, s11, s18, $0xb8;
	[tilespmem:$0x1CC00] =	vst v63  }
0xa4: {  	_ =	swait.ge [sflag:s16], $0x4000  }
0xa5: {  	[sflag:s16] =	ssyncset.done $0x0  }
0xa6: {  	[sflag:s16] =	ssyncadd.s32 $0xFFFFC000  }
0xa7: {  	_ =	swait.ge [sflag:s19], $0x4000  }
0xa8: {  	[sflag:s19] =	ssyncset.done $0x0  }
0xa9: {  	s12 =	simm.s32 $0x480;
	[sflag:s19] =	ssyncadd.s32 $0xFFFFC000  }
0xaa: {  	[tilespmem:s20], [sflag:$0x2] =	stream.indirect.gather [hbm4b:s2+s18], $0x80, s12, s18, $0xb8;
	[tilespmem:$0x1CC00] =	vst v63  }
0xab: {  	_ = 	snop  }
0xac: {  	[spmem:s3] =	stream.indirect.scatter.add.f32 [tilespmem:s15], [sflag:$0x3], $0x80, s13, s18, $0xb8;
	[tilespmem:$0x1CC00] =	vst v63  }
0xad: {  	_ =	swait.ge [sflag:s16], $0x4000  }
0xae: {  	[sflag:s16] =	ssyncset.done $0x0  }
0xaf: {  	[sflag:s16] =	ssyncadd.s32 $0xFFFFC000  }
0xb0: {  	_ =	swait.ge [sflag:s21], $0x4000  }
0xb1: {  	[sflag:s21] =	ssyncset.done $0x0  }
0xb2: {  	[sflag:s21] =	ssyncadd.s32 $0xFFFFC000  }
0xb3: {  	[tilespmem:s15], [sflag:$0x1] =	stream.indirect.gather [hbm4b:s2+s18], $0x80, s14, s18, $0xb8;
	[tilespmem:$0x1CC00] =	vst v63  }
0xb4: {  	_ = 	snop  }
0xb5: {  	[spmem:s3] =	stream.indirect.scatter.add.f32 [tilespmem:s20], [sflag:$0x3], $0x80, s7, s18, $0xb8;
	[tilespmem:$0x1CC00] =	vst v63  }
0xb6: {  	_ =	swait.ge [sflag:s16], $0x4000  }
0xb7: {  	[sflag:s16] =	ssyncset.done $0x0  }
0xb8: {  	[sflag:s16] =	ssyncadd.s32 $0xFFFFC000  }
0xb9: {  	_ =	swait.ge [sflag:s19], $0x4000  }
0xba: {  	[sflag:s19] =	ssyncset.done $0x0  }
0xbb: {  	[sflag:s19] =	ssyncadd.s32 $0xFFFFC000  }
0xbc: {  	[tilespmem:s20], [sflag:$0x2] =	stream.indirect.gather [hbm4b:s2+s18], $0x80, s4, s18, $0xb8;
	[tilespmem:$0x1CC00] =	vst v63  }
0xbd: {  	_ = 	snop  }
0xbe: {  	[spmem:s3] =	stream.indirect.scatter.add.f32 [tilespmem:s15], [sflag:$0x3], $0x80, s22, s18, $0xb8;
	[tilespmem:$0x1CC00] =	vst v63  }
0xbf: {  	_ =	swait.ge [sflag:s16], $0x4000  }
0xc0: {  	[sflag:s16] =	ssyncset.done $0x0  }
0xc1: {  	[sflag:s16] =	ssyncadd.s32 $0xFFFFC000  }
0xc2: {  	_ =	swait.ge [sflag:s21], $0x4000  }
0xc3: {  	[sflag:s21] =	ssyncset.done $0x0  }
0xc4: {  	[sflag:s21] =	ssyncadd.s32 $0xFFFFC000  }
0xc5: {  	[tilespmem:s15], [sflag:$0x1] =	stream.indirect.gather [hbm4b:s2+s18], $0x80, s23, s18, $0xb8;
	[tilespmem:$0x1CC00] =	vst v63  }
0xc6: {  	_ = 	snop  }
0xc7: {  	[spmem:s3] =	stream.indirect.scatter.add.f32 [tilespmem:s20], [sflag:$0x3], $0x80, s24, s18, $0xb8;
	[tilespmem:$0x1CC00] =	vst v63  }
0xc8: {  	_ =	swait.ge [sflag:s16], $0x4000  }
0xc9: {  	[sflag:s16] =	ssyncset.done $0x0  }
0xca: {  	[sflag:s16] =	ssyncadd.s32 $0xFFFFC000  }
0xcb: {  	_ =	swait.ge [sflag:s19], $0x4000  }
0xcc: {  	[sflag:s19] =	ssyncset.done $0x0  }
0xcd: {  	[sflag:s19] =	ssyncadd.s32 $0xFFFFC000  }
0xce: {  	[tilespmem:s20], [sflag:$0x2] =	stream.indirect.gather [hbm4b:s2+s18], $0x80, s25, s18, $0xb8;
	[tilespmem:$0x1CC00] =	vst v63  }
0xcf: {  	_ = 	snop  }
0xd0: {  	[spmem:s3] =	stream.indirect.scatter.add.f32 [tilespmem:s15], [sflag:$0x3], $0x80, s26, s18, $0xb8;
	[tilespmem:$0x1CC00] =	vst v63  }
0xd1: {  	_ =	swait.ge [sflag:s16], $0x4000  }
0xd2: {  	[sflag:s16] =	ssyncset.done $0x0  }
0xd3: {  	[sflag:s16] =	ssyncadd.s32 $0xFFFFC000  }
0xd4: {  	_ =	swait.ge [sflag:s21], $0x4000  }
0xd5: {  	[sflag:s21] =	ssyncset.done $0x0  }
0xd6: {  	[sflag:s21] =	ssyncadd.s32 $0xFFFFC000  }
0xd7: {  	[tilespmem:s15], [sflag:$0x1] =	stream.indirect.gather [hbm4b:s2+s18], $0x80, s28, s18, $0xb8;
	[tilespmem:$0x1CC00] =	vst v63  }
0xd8: {  	_ = 	snop  }
0xd9: {  	[spmem:s3] =	stream.indirect.scatter.add.f32 [tilespmem:s20], [sflag:$0x3], $0x80, s29, s18, $0xb8;
	[tilespmem:$0x1CC00] =	vst v63  }
0xda: {  	_ =	swait.ge [sflag:s16], $0x4000  }
0xdb: {  	[sflag:s16] =	ssyncset.done $0x0  }
0xdc: {  	[sflag:s16] =	ssyncadd.s32 $0xFFFFC000  }
0xdd: {  	_ =	swait.ge [sflag:s19], $0x4000  }
0xde: {  	[sflag:s19] =	ssyncset.done $0x0  }
0xdf: {  	[sflag:s19] =	ssyncadd.s32 $0xFFFFC000  }
0xe0: {  	[tilespmem:s20], [sflag:$0x2] =	stream.indirect.gather [hbm4b:s2+s18], $0x80, s30, s18, $0xb8;
	[tilespmem:$0x1CC00] =	vst v63  }
0xe1: {  	_ = 	snop  }
0xe2: {  	[spmem:s3] =	stream.indirect.scatter.add.f32 [tilespmem:s15], [sflag:$0x3], $0x80, s31, s18, $0xb8;
	[tilespmem:$0x1CC00] =	vst v63  }
0xe3: {  	_ =	swait.ge [sflag:s16], $0x4000  }
0xe4: {  	[sflag:s16] =	ssyncset.done $0x0  }
0xe5: {  	[sflag:s16] =	ssyncadd.s32 $0xFFFFC000  }
0xe6: {  	s8 =	sadd.s32 $0x1, s8;
	_ =	swait.ge [sflag:s21], $0x4000  }
0xe7: {  	p0 =	sne.s32 s8, $0x5;
	[sflag:s21] =	ssyncset.done $0x0  }
.Ltmp2:
0xe8: {  	[sflag:s21] =	ssyncadd.s32 $0xFFFFC000;
	(pc) =	sbr.rel @p0 .LBB2_4-.Ltmp2, $4  }
0xe9: {  	[spmem:s3] =	stream.indirect.scatter.add.f32 [tilespmem:s20], [sflag:$0x3], $0x80, s0, s18, $0xb8;
	[tilespmem:$0x1CC00] =	vst v63  }
0xea: {  	_ =	swait.ge [sflag:s16], $0x4000  }
0xeb: {  	[sflag:s16] =	ssyncset.done $0x0  }
0xec: {  	[sflag:s16] =	ssyncadd.s32 $0xFFFFC000  }
0xed: {  	s1 =	stileid.u32;
	[bflag:$0x0] =	sbarrier.arrive $0xFFFF  }
0xee: {  	s1 =	sshll.u32 s1, $0x6;
	s10 =	rddreg [dreg:$0x4]  }
0xef: {  	s11 =	rddreg [dreg:$0x6];
	s1 =	sor.u32 $0x1C03, s1;
	s8 =	sshrl.u32 s10, $0x3  }
0xf0: {  	[hbm:s11], [sflag:s1] =	dma.local [spmem:s8], $0x2780  }
0xf1: {  	_ =	swait.ge [sflag:s16], $0x2780  }
0xf2: {  	s11 =	rddreg [dreg:$0xb]  }
0xf3: {  	s12 =	rddreg [dreg:$0x7];
	s8 =	sadd.s32 $0x1, s11  }
0xf4: {  	p0 =	sne.s32 s8, s12  }
.Ltmp3:
0xf5: {  	_ = 	snop;
	(pc) =	sbr.rel @p0 .LBB2_1-.Ltmp3, $3  }
0xf6: {  	_ =	sdelay $0x1  }
0xf7: {  	[sflag:s16] =	ssyncset.done $0x0  }
0xf8: {  	[sflag:s16] =	ssyncadd.s32 $0xFFFFD880  }
0xf9: {  	_ =	sfence.sel $0x180000  }
0xfa: {  	[bflag:$0x0] =	sbarrier.arrive $0xFFFF  }
0xfb: {  	_ =	strace $0x9000004D  }
0xfc: {  	s0 =	stileid.u32;
	[bflag:$0x2] =	sbarrier.arrive $0xFFFF  }
0xfd: {  	p0 =	sne.s32 s0, $0x0;
	s0 =	rddreg [dreg:$0x3]  }
0xfe: {  	s0 =	sadd.s32 @!p0 $0x100000, s0  }
0xff: {  	[sflag:s0] =	ssyncadd.tile.s32 @!p0 $0x1;
	_ =	shalt  }
.Lfunc_end2:
_tile_overlayer_lowered:
.L_overlay_start_2:
0x100: {  	(tag) =	ssettag $0x2  }
0x101: {  	s0 =	rddreg [dreg:$0x0];
	s2 =	stileid.u32  }
0x102: {  	s1 =	rddreg [dreg:$0x1];
	p0 =	sne.s32 s2, $0x0  }
0x103: {  	s3 =	rddreg [dreg:$0x2];
	[bflag:$0x3] =	sbarrier.arrive $0xFFFF;
	s2 =	simm.s32 @!p0 $0x1C03  }
0x104: {  	[timem:s3], [sflag:s2] =	dma.local @!p0 [hbm:s0], s1  }
0x105: {  	s0 =	simm.s32 @!p0 $0x3  }
0x106: {  	_ =	swait.ge @!p0 [sflag:s0], s1  }
0x107: {  	s1 =	ssub.s32 @!p0 $0x0, s1;
	[sflag:s0] =	ssyncset.done @!p0 $0x0  }
0x108: {  	[sflag:s0] =	ssyncadd.s32 @!p0 s1  }
0x109: {  	[bflag:$0x3] =	sbarrier.arrive $0xFFFF  }
0x10a: {  	_ =	shalt  }

// kernel: kernel.8.cloned.1.call-start
scs
__scs_entry_jumppad:
0x0: {  	(pc) =	sbr.rel $0x88, $3  }
0x1: {  	(tag) =	ssettag $0x0;
	lr =	simm.s32 $0x1  }
0x2: {  	[smem:$0x3F9B] =	sst lr;
	_ =	strace $0xD0000000  }
0x3: {  	_ = 	snop  }
0x4: {  	_ = 	snop  }
0x5: {  	_ = 	snop  }
0x6: {  	_ = 	snop  }
0x7: {  	_ = 	snop  }
__scs_overlays_trampoline_lowered:
0x8: {  	[smem:$0x3FAA] =	sst s0  }
0x9: {  	[smem:$0x3FAB] =	sst s1  }
0xa: {  	[smem:$0x3FAC] =	sst s2  }
0xb: {  	[smem:$0x3FAD] =	sst s3  }
0xc: {  	[smem:$0x3FAE] =	sst s4  }
0xd: {  	[smem:$0x3FAF] =	sst s5  }
0xe: {  	[smem:$0x3FB0] =	sst s6  }
0xf: {  	[smem:$0x3FB1] =	sst s7  }
0x10: {  	[smem:$0x3FB2] =	sst s8  }
0x11: {  	[smem:$0x3FB3] =	sst s9;
	s0 =	simm.s32 @!p0 $0x0  }
0x12: {  	s1 =	sld [smem:$0x3F99];
	s0 =	simm.s32 @p0 $0x1  }
0x13: {  	[smem:$0x3FB4] =	sst s0;
	s0 =	simm.s32 @!p1 $0x0  }
0x14: {  	s2 =	sld [smem:$0x3F98];
	s0 =	simm.s32 @p1 $0x1  }
0x15: {  	[smem:$0x3FB5] =	sst s0;
	s0 =	simm.s32 @!p2 $0x0  }
0x16: {  	s3 =	sld [smem:$0x3FDB];
	s0 =	simm.s32 @p2 $0x1  }
0x17: {  	s4 =	simm.s32 $0x1BF5;
	[smem:$0x3FB7] =	sst s0  }
0x18: {  	s0 =	sld [smem:$0x3F9A];
	_ =	swait.ge [sflag:s4], $0x0  }
0x19: {  	s7 =	sld [smem:$0x3F9B]  }
0x1a: {  	s8 =	sadd.s32 $0xFFFFE003, lr  }
0x1b: {  	s9 =	sadd.s32 $0xFFFFFEF7, lr;
	s5 =	simm.s32 $0xFFFFFFFF;
	p2 =	slt.u32 s8, $0xFFFFF086  }
0x1c: {  	p1 =	slt.u32 s9, $0xF7A;
	s5 =	simm.s32 @!p2 $0x0  }
0x1d: {  	s5 =	simm.s32 @p1 $0x1;
	p0 =	seq.s32 s7, s2  }
0x1e: {  	s7 =	smul.u32 @!p0 $0xF7A, s2;
	p2 =	seq.s32 @!p0 s5, $0x0  }
0x1f: {  	s9 =	smul.u32 $0xF7A, s1;
	s8 =	simm.s32 @!p0 $0x1BF5;
	p2 =	por !p2, p0  }
0x20: {  	[sflag:s8] =	ssyncset.s32 @!p0 $0xFFFFF086;
	s6 =	sadd.s32 @!p0 s3, s7;
	s7 =	simm.s32 @!p0 $0x108  }
0x21: {  	s3 =	sadd.s32 s3, s9;
	s6 =	sadd.s32 @!p0 $0x88, s6;
	s7 =	simm.s32 @p2 $0x1082  }
0x22: {  	[simem:s7], [sflag:s8] =	dma.local @!p0 [hbm:s6], $0xF7A  }
0x23: {  	s9 =	sor.u32 $0xD0000000, s2;
	s6 =	simm.s32 $0x108;
	_ =	swait.ge @!p0 [sflag:s8], $0x0  }
0x24: {  	s3 =	sadd.s32 $0x88, s3;
	s6 =	simm.s32 @!p1 $0x1082;
	[sflag:s4] =	ssyncset.s32 $0xFFFFF086  }
0x25: {  	[simem:s6], [sflag:s4] =	dma.local [hbm:s3], $0xF7A  }
0x26: {  	[smem:$0x3F9B] =	sst s1;
	(tag) =	ssettag s2;
	_ =	strace s9  }
0x27: {  	s1 =	sld [smem:$0x3FAB]  }
0x28: {  	s2 =	sld [smem:$0x3FAC]  }
0x29: {  	s4 =	sld [smem:$0x3FAE]  }
0x2a: {  	p0 =	seq.s32 s5, $0x0;
	s5 =	sld [smem:$0x3FAF]  }
0x2b: {  	s6 =	sld [smem:$0x3FB0]  }
0x2c: {  	s7 =	sld [smem:$0x3FB1]  }
0x2d: {  	s3 =	simm.s32 $0x108;
	s8 =	sld [smem:$0x3FB2]  }
0x2e: {  	s3 =	simm.s32 @!p0 $0x1082;
	s9 =	sld [smem:$0x3FB3]  }
0x2f: {  	lr =	sadd.s32 s0, s3;
	s0 =	sld [smem:$0x3FAA]  }
0x30: {  	s3 =	sld [smem:$0x3FAD]  }
0x31: {  	[smem:$0x3FB6] =	sst s10  }
0x32: {  	s10 =	sld [smem:$0x3FB4];
	_ =	sdelay $0x3  }
0x33: {  	p0 =	seq.s32 s10, $0x1;
	s10 =	sld [smem:$0x3FB6];
	_ =	sdelay $0x3  }
0x34: {  	[smem:$0x3FB6] =	sst s10  }
0x35: {  	s10 =	sld [smem:$0x3FB5];
	_ =	sdelay $0x3  }
0x36: {  	p1 =	seq.s32 s10, $0x1;
	s10 =	sld [smem:$0x3FB6];
	_ =	sdelay $0x3  }
0x37: {  	[smem:$0x3FB6] =	sst s10  }
0x38: {  	s10 =	sld [smem:$0x3FB7]  }
0x39: {  	_ = 	snop;
	(pc) =	sbr.ind lr, $3  }
0x3a: {  	_ = 	snop  }
0x3b: {  	_ = 	snop  }
0x3c: {  	p2 =	seq.s32 s10, $0x1;
	s10 =	sld [smem:$0x3FB6]  }
0x3d: {  	_ =	shalt  }
0x3e: {  	_ =	shalt  }
0x3f: {  	_ =	shalt  }
0x40: {  	_ =	shalt  }
0x41: {  	_ =	shalt  }
0x42: {  	_ =	shalt  }
0x43: {  	_ =	shalt  }
0x44: {  	_ =	shalt  }
0x45: {  	_ =	shalt  }
0x46: {  	_ =	shalt  }
0x47: {  	_ =	shalt  }
0x48: {  	_ =	shalt  }
0x49: {  	_ =	shalt  }
0x4a: {  	_ =	shalt  }
0x4b: {  	_ =	shalt  }
0x4c: {  	_ =	shalt  }
0x4d: {  	_ =	shalt  }
0x4e: {  	_ =	shalt  }
0x4f: {  	_ =	shalt  }
0x50: {  	_ =	shalt  }
0x51: {  	_ =	shalt  }
0x52: {  	_ =	shalt  }
0x53: {  	_ =	shalt  }
0x54: {  	_ =	shalt  }
0x55: {  	_ =	shalt  }
0x56: {  	_ =	shalt  }
0x57: {  	_ =	shalt  }
0x58: {  	_ =	shalt  }
0x59: {  	_ =	shalt  }
0x5a: {  	_ =	shalt  }
0x5b: {  	_ =	shalt  }
0x5c: {  	_ =	shalt  }
0x5d: {  	_ =	shalt  }
0x5e: {  	_ =	shalt  }
0x5f: {  	_ =	shalt  }
0x60: {  	_ =	shalt  }
0x61: {  	_ =	shalt  }
0x62: {  	_ =	shalt  }
0x63: {  	_ =	shalt  }
0x64: {  	_ =	shalt  }
0x65: {  	_ =	shalt  }
0x66: {  	_ =	shalt  }
0x67: {  	_ =	shalt  }
0x68: {  	_ =	shalt  }
0x69: {  	_ =	shalt  }
0x6a: {  	_ =	shalt  }
0x6b: {  	_ =	shalt  }
0x6c: {  	_ =	shalt  }
0x6d: {  	_ =	shalt  }
0x6e: {  	_ =	shalt  }
0x6f: {  	_ =	shalt  }
0x70: {  	_ =	shalt  }
0x71: {  	_ =	shalt  }
0x72: {  	_ =	shalt  }
0x73: {  	_ =	shalt  }
0x74: {  	_ =	shalt  }
0x75: {  	_ =	shalt  }
0x76: {  	_ =	shalt  }
0x77: {  	_ =	shalt  }
0x78: {  	_ =	shalt  }
0x79: {  	_ =	shalt  }
0x7a: {  	_ =	shalt  }
0x7b: {  	_ =	shalt  }
0x7c: {  	_ =	shalt  }
0x7d: {  	_ =	shalt  }
0x7e: {  	_ =	shalt  }
0x7f: {  	_ =	shalt  }
0x80: {  	_ =	shalt  }
0x81: {  	_ =	shalt  }
0x82: {  	_ =	shalt  }
0x83: {  	_ =	shalt  }
0x84: {  	_ =	shalt  }
0x85: {  	_ =	shalt  }
0x86: {  	_ =	shalt  }
0x87: {  	_ =	shalt  }
.Lfunc_end0:
.L_simem_size_0:
called_computation_lowered:
.L_overlay_start_0:
0x88: {  	s2 =	sld [smem:$0x3FD9]  }
0x89: {  	s3 =	sld [smem:$0x3FFE];
	_ =	sdelay $0x1  }
0x8a: {  	s1 =	srdreg.scid  }
0x8b: {  	s0 =	sand.u32 $0x1, s1  }
0x8c: {  	s16 =	sshll.u32 s0, $0xA;
	s2 =	sadd.s32 s3, s2  }
0x8d: {  	s2 =	sadd.s32 s2, s16  }
0x8e: {  	[smem:$0x3FC2] =	sst s2  }
0x8f: {  	_ = 	snop  }
0x90: {  	(tm) =	ssettm $0x1  }
0x91: {  	s17 =	sld [smem:$0x3FFB];
	_ =	sdelay $0x3  }
0x92: {  	_ =	strace s17  }
0x93: {  	s2 =	sld [smem:$0x3FFC];
	_ =	sdelay $0x3  }
0x94: {  	_ =	strace s2  }
0x95: {  	s2 =	sld [smem:$0x3FFD];
	_ =	sdelay $0x3  }
0x96: {  	_ =	strace s2  }
0x97: {  	_ =	strace $0x8FFFFFFF  }
0x98: {  	s18 =	sld [smem:$0x3FDB];
	_ =	sdelay $0x1  }
0x99: {  	s19 =	simm.s32 $_scs_section_size  }
0x9a: {  	s4 =	simm.s32 $_size__tile_overlayer_lowered;
	s5 =	simm.s32 $_tile_overlayer_lowered  }
0x9b: {  	s22 =	simm.s32 $0x1BFF;
	s21 =	sshll.u32 s5, $0x1;
	s2 =	sadd.s32 s19, s18  }
0x9c: {  	s6 =	simm.s32 $0x0;
	s20 =	sshll.u32 s4, $0x1;
	s4 =	sadd.s32 s21, s2  }
0x9d: {  	[timem:s6], [sflag:s22] =	dma.local [hbm:s4], s20  }
0x9e: {  	_ =	swait.ge [sflag:s22], s20  }
0x9f: {  	s3 =	ssub.s32 $0x0, s20;
	[sflag:s22] =	ssyncset.done $0x0  }
0xa0: {  	[sflag:s22] =	ssyncadd.s32 s3;
	_ =	sdelay $0x1  }
0xa1: {  	s23 =	simm.s32 $0x1B8B  }
0xa2: {  	_ =	swait.ge [sflag:s23], $0x1  }
0xa3: {  	[sflag:s23] =	ssyncset.done $0x0  }
0xa4: {  	s25 =	simm.s32 $0x1B8E;
	s24 =	sld [smem:$0x3FFE];
	[sflag:s23] =	ssyncadd.s32 $0xFFFFFFFF  }
0xa5: {  	s26 =	simm.s32 $execute0_lowered;
	[smem:$0x3FD2] =	sst s25  }
0xa6: {  	s4 =	sshll.u32 s26, $0x1;
	_ =	strace $0x80000046;
	[dreg:$0x1] =	wrdreg $0xFFFFFFFF  }
0xa7: {  	s28 =	simm.s32 $_size_execute0_lowered;
	s2 =	sadd.s32 s2, s4;
	[dreg:$0x0] =	wrdreg $0x0  }
0xa8: {  	s4 =	sshll.u32 s28, $0x1;
	[dreg:$0x2] =	wrdreg s2  }
0xa9: {  	[dreg:$0x3] =	wrdreg s4  }
0xaa: {  	[dreg:$0x4] =	wrdreg $0xC0  }
0xab: {  	_ =	task [dreg:s6], $0x5FFFF  }
0xac: {  	[dreg:$0x1] =	wrdreg $0xFFFFFFFF  }
0xad: {  	[dreg:$0x0] =	wrdreg $0x60  }
0xae: {  	[dreg:$0x2] =	wrdreg s24  }
0xaf: {  	[dreg:$0x3] =	wrdreg $0x54000  }
0xb0: {  	[dreg:$0x4] =	wrdreg $0x9  }
0xb1: {  	_ =	task.clear_ibuf [dreg:s6], $0x5FFFF;
	_ =	strace $0x90000046  }
0xb2: {  	s29 =	simm.s32 $0x9;
	_ =	strace $0x80000048  }
0xb3: {  	_ =	swait.ge [sflag:s29], $0x1  }
0xb4: {  	[sflag:s29] =	ssyncadd.s32 $0xFFFFFFFF  }
0xb5: {  	_ =	strace $0x90000048  }
0xb6: {  	_ =	sfence  }
0xb7: {  	s30 =	sld [smem:$0x0];
	_ =	sdelay $0x2  }
0xb8: {  	s31 =	sshll.u32 s1, $0xD;
	s1 =	sshrl.u32 s1, $0x2  }
0xb9: {  	s3 =	sand.u32 $0x4000, s31;
	s1 =	sadd.s32 s1, s30  }
0xba: {  	s0 =	sor.u32 s3, s0;
	s1 =	sshll.u32 s1, $0x11  }
0xbb: {  	s0 =	sor.u32 s1, s0  }
0xbc: {  	s0 =	sadd.s32 $0x8F2B, s0  }
0xbd: {  	[sflag:s0] =	ssyncadd.remote.s32 $0x1  }
0xbe: {  	_ =	sfence.sel $0xFFFF  }
0xbf: {  	[dreg:$0x0] =	wrdreg $0xFFFFFFFF;
	(pc) =	sbr.abs _section_cstart, $3  }
0xc0: {  	[dreg:$0x1] =	wrdreg $0xFFFFFFFF  }
0xc1: {  	_ =	task.clear_ibuf [dreg:s6], $0x2FFFF;
	_ =	strace $0x9FFFFFFF  }
0xc2: {  	(tm) =	ssettm $0x7FFFFFFF  }
0xc3: {  	_ =	shalt  }
tec
execute0_lowered:
.L_overlay_start_1:
0x0: {  	(tag) =	ssettag $0x1  }
0x1: {  	s5 =	rddreg [dreg:$0x0]  }
0x2: {  	s0 =	srdreg.scid;
	s2 =	rddreg [dreg:$0x1];
	s3 =	simm.s32 $0x0  }
0x3: {  	s12 =	simm.s32 $0x1;
	s4 =	sand.u32 $0x1, s0;
	s0 =	stileid.u32  }
0x4: {  	s13 =	simm.s32 $0x1400;
	s14 =	simm.s32 $0x80;
	s7 =	smul.u32 $0x2780, s0  }
0x5: {  	s17 =	simm.s32 $0x0;
	[smem:$0x7FF] =	sst s3;
	s8 =	smul.u32 $0x27800, s4  }
0x6: {  	s1 =	sshll.u32 s4, $0x4;
	s9 =	smul.u32 $0x4F000, s0;
	s29 =	ssub.s32 $0x2, s4  }
0x7: {  	s15 =	sshll.u32 s0, $0x6;
	s1 =	sor.u32 s0, s1;
	s31 =	sshrl.u32 s29, $0x1  }
0x8: {  	s15 =	sor.u32 $0x1C01, s15;
	s6 =	smul.u32 $0x280, s1;
	s1 =	rddreg [dreg:$0x2]  }
0x9: {  	_ =	strace $0x80000047;
	s7 =	sadd.s32 s7, s8;
	s30 =	sshrl.u32 s9, $0x2  }
0xa: {  	s8 =	ssub.s32 s29, s31;
	s7 =	sadd.s32 s7, s5;
	s4 =	sadd.s32 s30, s2  }
0xb: {  	s8 =	smax.u32 s8, $0x1;
	s6 =	sadd.s32 s6, s5;
	s7 =	sadd.s32 $0x7400, s7  }
0xc: {  	s9 =	sadd.s32 $0x4000, s4;
	s10 =	sadd.s32 $0x8000, s4;
	s11 =	sadd.s32 $0xC000, s4  }
0xd: {  	v0 =	vimm.f32 $0.0e+00;
	v1 =	vimm.f32 $1.000000000e+00;
	s16 =	sshrl.u32 s4, $0x3;
	s5 =	sadd.s32 $0x2400, s6;
	s6 =	sadd.s32 $0x10000, s4  }
.LBB2_1:
0xe: {  	[tilespmem:s3], [sflag:$0x1] =	stream.linear.gather [hbm4b:s5+s3], $0x1400, $0x38;
	[tilespmem:$0x19000] =	vst v63  }
0xf: {  	_ =	swait.ge [sflag:s12], $0x1400  }
0x10: {  	[sflag:s12] =	ssyncset.done $0x0  }
0x11: {  	s18 =	simm.s32 $0x0;
	s19 =	simm.s32 $0x200;
	[sflag:s12] =	ssyncadd.s32 $0xFFFFEC00  }
.LBB2_2:
0x12: {  	p0 =	sne.s32 s19, $0xFE00;
	[tilespmem:s18+$0x1470] =	vst v0  }
0x13: {  	[tilespmem:s18+$0x1400] =	vst v0  }
0x14: {  	[tilespmem:s18+$0x1410] =	vst v0  }
.Ltmp0:
0x15: {  	[tilespmem:s18+$0x1420] =	vst v0;
	(pc) =	sbr.rel @p0 .LBB2_2-.Ltmp0, $4  }
0x16: {  	[tilespmem:s18+$0x1430] =	vst v0  }
0x17: {  	[tilespmem:s18+$0x1440] =	vst v0  }
0x18: {  	[tilespmem:s18+$0x1450] =	vst v0  }
0x19: {  	[tilespmem:s18+$0x1460] =	vst v0;
	s18 =	sshra.s32 s19, $0x2;
	s19 =	sadd.s32 $0x200, s19  }
0x1a: {  	[tilespmem:s18+$0x1470] =	vst v0  }
0x1b: {  	[tilespmem:s18+$0x1400] =	vst v0  }
0x1c: {  	[tilespmem:s18+$0x1410] =	vst v0  }
0x1d: {  	[tilespmem:s18+$0x1420] =	vst v0  }
0x1e: {  	[tilespmem:s18+$0x1430] =	vst v0  }
0x1f: {  	[tilespmem:s18+$0x1440] =	vst v0  }
0x20: {  	[tilespmem:s18+$0x1450] =	vst v0  }
0x21: {  	[tilespmem:s18+$0x1460] =	vst v0  }
0x22: {  	[spmem:s4] =	stream.linear.scatter [tilespmem:s13], [sflag:$0x1], $0x4000, $0x38;
	[tilespmem:$0x19000] =	vst v63  }
0x23: {  	_ =	swait.ge [sflag:s12], $0x4000  }
0x24: {  	[sflag:s12] =	ssyncset.done $0x0  }
0x25: {  	[sflag:s12] =	ssyncadd.s32 $0xFFFFC000  }
0x26: {  	[spmem:s9] =	stream.linear.scatter [tilespmem:s13], [sflag:$0x1], $0x4000, $0x38;
	[tilespmem:$0x19000] =	vst v63  }
0x27: {  	_ =	swait.ge [sflag:s12], $0x4000  }
0x28: {  	[sflag:s12] =	ssyncset.done $0x0  }
0x29: {  	[sflag:s12] =	ssyncadd.s32 $0xFFFFC000  }
0x2a: {  	[spmem:s10] =	stream.linear.scatter [tilespmem:s13], [sflag:$0x1], $0x4000, $0x38;
	[tilespmem:$0x19000] =	vst v63  }
0x2b: {  	_ =	swait.ge [sflag:s12], $0x4000  }
0x2c: {  	[sflag:s12] =	ssyncset.done $0x0  }
0x2d: {  	[sflag:s12] =	ssyncadd.s32 $0xFFFFC000  }
0x2e: {  	[spmem:s11] =	stream.linear.scatter [tilespmem:s13], [sflag:$0x1], $0x4000, $0x38;
	[tilespmem:$0x19000] =	vst v63  }
0x2f: {  	_ =	swait.ge [sflag:s12], $0x4000  }
0x30: {  	[sflag:s12] =	ssyncset.done $0x0  }
0x31: {  	[sflag:s12] =	ssyncadd.s32 $0xFFFFC000  }
0x32: {  	[spmem:s6] =	stream.linear.scatter [tilespmem:s13], [sflag:$0x1], $0x3C00, $0x38;
	[tilespmem:$0x19000] =	vst v63  }
0x33: {  	_ =	swait.ge [sflag:s12], $0x3C00  }
0x34: {  	[sflag:s12] =	ssyncset.done $0x0  }
0x35: {  	s18 =	simm.s32 $0x0;
	s19 =	simm.s32 $0x200;
	[sflag:s12] =	ssyncadd.s32 $0xFFFFC400  }
.LBB2_4:
0x36: {  	p0 =	sne.s32 s19, $0xFE00;
	[tilespmem:s18+$0x1470] =	vst v1  }
0x37: {  	[tilespmem:s18+$0x1400] =	vst v1  }
0x38: {  	[tilespmem:s18+$0x1410] =	vst v1  }
.Ltmp1:
0x39: {  	[tilespmem:s18+$0x1420] =	vst v1;
	(pc) =	sbr.rel @p0 .LBB2_4-.Ltmp1, $4  }
0x3a: {  	[tilespmem:s18+$0x1430] =	vst v1  }
0x3b: {  	[tilespmem:s18+$0x1440] =	vst v1  }
0x3c: {  	[tilespmem:s18+$0x1450] =	vst v1  }
0x3d: {  	[tilespmem:s18+$0x1460] =	vst v1;
	s18 =	sshra.s32 s19, $0x2;
	s19 =	sadd.s32 $0x200, s19  }
0x3e: {  	[tilespmem:s18+$0x1470] =	vst v1  }
0x3f: {  	[tilespmem:s18+$0x1400] =	vst v1  }
0x40: {  	[tilespmem:s18+$0x1410] =	vst v1  }
0x41: {  	[tilespmem:s18+$0x1420] =	vst v1  }
0x42: {  	[tilespmem:s18+$0x1430] =	vst v1  }
0x43: {  	[tilespmem:s18+$0x1440] =	vst v1  }
0x44: {  	[tilespmem:s18+$0x1450] =	vst v1  }
0x45: {  	[tilespmem:s18+$0x1460] =	vst v1  }
0x46: {  	s31 =	simm.s32 $0x0;
	[bflag:$0x0] =	sbarrier.arrive $0xFFFF  }
0x47: {  	[spmem:s2] =	stream.indirect.scatter.add.f32 [tilespmem:s13], [sflag:$0x1], $0x80, s31, s14, $0xb8;
	[tilespmem:$0x19000] =	vst v63  }
0x48: {  	_ =	swait.ge [sflag:s12], $0x4000  }
0x49: {  	s18 =	simm.s32 $0x200;
	[sflag:s12] =	ssyncset.done $0x0  }
.LBB2_6:
0x4a: {  	s19 =	sshra.s32 s18, $0x2;
	[sflag:s12] =	ssyncadd.s32 $0xFFFFC000;
	p0 =	sne.s32 s18, $0x4E00  }
0x4b: {  	[spmem:s2] =	stream.indirect.scatter.add.f32 [tilespmem:s13], [sflag:$0x1], $0x80, s19, s14, $0xb8;
	[tilespmem:$0x19000] =	vst v63  }
.Ltmp2:
0x4c: {  	_ = 	snop;
	(pc) =	sbr.rel @p0 .LBB2_6-.Ltmp2, $4  }
0x4d: {  	_ = 	snop  }
0x4e: {  	s18 =	sadd.s32 $0x200, s18  }
0x4f: {  	_ =	swait.ge [sflag:s12], $0x4000  }
0x50: {  	[sflag:s12] =	ssyncset.done $0x0  }
0x51: {  	s17 =	sadd.s32 $0x1, s17  }
0x52: {  	[sflag:s12] =	ssyncadd.s32 $0xFFFFC000;
	p0 =	sne.s32 s17, s8  }
.Ltmp3:
0x53: {  	[bflag:$0x0] =	sbarrier.arrive $0xFFFF;
	(pc) =	sbr.rel @p0 .LBB2_1-.Ltmp3, $4  }
0x54: {  	[hbm:s7], [sflag:s15] =	dma.local [spmem:s16], $0x2780  }
0x55: {  	_ =	swait.ge [sflag:s12], $0x2780  }
0x56: {  	[sflag:s12] =	ssyncset.done $0x0  }
0x57: {  	[sflag:s12] =	ssyncadd.s32 $0xFFFFD880  }
0x58: {  	_ =	sfence.sel $0x180000  }
0x59: {  	[bflag:$0x0] =	sbarrier.arrive $0xFFFF  }
0x5a: {  	p0 =	sne.s32 s0, $0x0;
	_ =	strace $0x90000047  }
0x5b: {  	s0 =	sadd.s32 @!p0 $0x100000, s1;
	[bflag:$0x2] =	sbarrier.arrive $0xFFFF  }
0x5c: {  	[sflag:s0] =	ssyncadd.tile.s32 @!p0 $0x1;
	_ =	shalt  }
.Lfunc_end2:
_tile_overlayer_lowered:
.L_overlay_start_2:
0x5d: {  	(tag) =	ssettag $0x2  }
0x5e: {  	s0 =	rddreg [dreg:$0x0];
	s2 =	stileid.u32  }
0x5f: {  	s1 =	rddreg [dreg:$0x1];
	p0 =	sne.s32 s2, $0x0  }
0x60: {  	s3 =	rddreg [dreg:$0x2];
	[bflag:$0x3] =	sbarrier.arrive $0xFFFF;
	s2 =	simm.s32 @!p0 $0x1C01  }
0x61: {  	[timem:s3], [sflag:s2] =	dma.local @!p0 [hbm:s0], s1  }
0x62: {  	s0 =	simm.s32 @!p0 $0x1  }
0x63: {  	_ =	swait.ge @!p0 [sflag:s0], s1  }
0x64: {  	s1 =	ssub.s32 @!p0 $0x0, s1;
	[sflag:s0] =	ssyncset.done @!p0 $0x0  }
0x65: {  	[sflag:s0] =	ssyncadd.s32 @!p0 s1  }
0x66: {  	[bflag:$0x3] =	sbarrier.arrive $0xFFFF  }
0x67: {  	_ =	shalt  }

</sc_bundles>
